<compile_context>
chip_gen: v7x
topology: tpu7x:2x2x1
jax: 0.10.2.dev20260603
libtpu: 0.0.44.dev20260713+nightly
codegen_flags: <defaults>
</compile_context>

<pallas_src>
import functools

import jax
import jax.numpy as jnp
from jax import lax
from jax.experimental import pallas as pl
from jax.experimental.pallas import tpu as pltpu
from jax.experimental.pallas import tpu_sc as plsc

NC = 2
NS = 16
NW = NC * NS
L = 16


def _sc_agg_body(npt, chunks_per_worker, k, d,
                 x_hbm, src_hbm, dst_hbm, zeros_hbm, ones_hbm,
                 agg_out, deg_out,
                 sidx, didx, xrows0, xrows1, shared_agg,
                 gsem0, gsem1, asem0, asem1):
    c = lax.axis_index("c")
    s = lax.axis_index("s")
    w = c * NS + s
    epw = chunks_per_worker * k

    pltpu.sync_copy(zeros_hbm.at[pl.ds(s * npt, npt)],
                    shared_agg.at[pl.ds(s * npt, npt)])
    plsc.subcore_barrier()

    pltpu.sync_copy(src_hbm.at[pl.ds(w * epw, epw)], sidx)
    pltpu.sync_copy(dst_hbm.at[w], didx)

    xr = (xrows0, xrows1)
    gs = (gsem0, gsem1)
    asems = (asem0, asem1)
    cpw = chunks_per_worker

    pltpu.async_copy(x_hbm.at[sidx.at[pl.ds(0, k)]], xr[0], gs[0])

    def chunk(t, _):
        for p in (0, 1):
            q = 1 - p

            @pl.when(t % 2 == p)
            def _():
                @pl.when(jnp.logical_and(t + 1 < cpw, t >= 1))
                def _():
                    pltpu.make_async_copy(
                        xr[q], shared_agg.at[didx.at[t]], asems[q]).wait()

                @pl.when(t + 1 < cpw)
                def _():
                    pltpu.async_copy(
                        x_hbm.at[sidx.at[pl.ds((t + 1) * k, k)]], xr[q], gs[q])

                pltpu.make_async_copy(
                    x_hbm.at[sidx.at[pl.ds(t * k, k)]], xr[p], gs[p]).wait()
                pltpu.async_copy(
                    xr[p], shared_agg.at[didx.at[t]], asems[p], add=True)
        return 0
    lax.fori_loop(0, cpw, chunk, 0)

    last = (cpw - 1) % 2
    pltpu.make_async_copy(xr[last], shared_agg.at[didx.at[0]], asems[last]).wait()
    pltpu.make_async_copy(xr[1 - last], shared_agg.at[didx.at[0]], asems[1 - last]).wait()
    plsc.subcore_barrier()
    pltpu.sync_copy(shared_agg.at[pl.ds(s * npt, npt)], agg_out.at[w])
    plsc.subcore_barrier()

    pltpu.sync_copy(zeros_hbm.at[pl.ds(s * npt, npt)],
                    shared_agg.at[pl.ds(s * npt, npt)])
    pltpu.sync_copy(ones_hbm, xr[0])
    plsc.subcore_barrier()

    def dchunk(t, _):
        for p in (0, 1):
            @pl.when(t % 2 == p)
            def _():
                @pl.when(t >= 4)
                def _():
                    pltpu.make_async_copy(
                        xr[0], shared_agg.at[didx.at[t]], asems[p]).wait()
                pltpu.async_copy(
                    xr[0], shared_agg.at[didx.at[t]], asems[p], add=True)
        return 0
    lax.fori_loop(0, cpw, dchunk, 0)
    for _p in (0, 1):
        pltpu.make_async_copy(xr[0], shared_agg.at[didx.at[0]], asems[_p]).wait()
        pltpu.make_async_copy(xr[0], shared_agg.at[didx.at[0]], asems[_p]).wait()
    plsc.subcore_barrier()
    pltpu.sync_copy(shared_agg.at[pl.ds(s * npt, npt)], deg_out.at[w])


def _sc_edge_body(chunks_per_worker, k, d,
                  nl_hbm, src_hbm, dst_hbm, out_hbm,
                  sidx, didx, abuf0, abuf1, abuf2, bbuf0, bbuf1, bbuf2,
                  obuf0, obuf1, obuf2,
                  gsem0, gsem1, gsem2, ssem0, ssem1, ssem2):
    c = lax.axis_index("c")
    s = lax.axis_index("s")
    w = c * NS + s

    edges_per_worker = chunks_per_worker * k
    pltpu.sync_copy(src_hbm.at[pl.ds(w * edges_per_worker, edges_per_worker)], sidx)
    pltpu.sync_copy(dst_hbm.at[pl.ds(w * edges_per_worker, edges_per_worker)], didx)

    ab = (abuf0, abuf1, abuf2)
    bb = (bbuf0, bbuf1, bbuf2)
    ob = (obuf0, obuf1, obuf2)
    gs = (gsem0, gsem1, gsem2)
    ss = (ssem0, ssem1, ssem2)
    cpw = chunks_per_worker
    base = w * edges_per_worker

    def start_gathers(t, p):
        pltpu.async_copy(nl_hbm.at[sidx.at[pl.ds(t * k, k)]], ab[p], gs[p])
        pltpu.async_copy(nl_hbm.at[didx.at[pl.ds(t * k, k)]], bb[p], gs[p])

    start_gathers(0, 0)
    start_gathers(1, 1)

    def chunk(t, _):
        for p in (0, 1, 2):
            q = (p + 2) % 3

            @pl.when(t % 3 == p)
            def _():
                @pl.when(t + 2 < cpw)
                def _():
                    start_gathers(t + 2, q)

                pltpu.make_async_copy(
                    nl_hbm.at[sidx.at[pl.ds(t * k, k)]], ab[p], gs[p]).wait()
                pltpu.make_async_copy(
                    nl_hbm.at[didx.at[pl.ds(t * k, k)]], bb[p], gs[p]).wait()

                @pl.when(t >= 3)
                def _():
                    pltpu.make_async_copy(
                        ob[p], out_hbm.at[pl.ds(base + t * k, k)], ss[p]).wait()

                def row(i, _):
                    for hh in range(d // L):
                        sl = pl.ds(hh * L, L)
                        ob[p][i, sl] = ab[p][i, sl] + bb[p][i, sl]
                    return 0
                lax.fori_loop(0, k, row, 0)

                pltpu.async_copy(
                    ob[p], out_hbm.at[pl.ds(base + t * k, k)], ss[p])
        return 0
    lax.fori_loop(0, cpw, chunk, 0)

    for p in (0, 1, 2):
        pltpu.make_async_copy(ob[p], out_hbm.at[pl.ds(base, k)], ss[p]).wait()


def _tc_fuse_body(x_ref, agg_ref, deg_ref, w1_ref, b1_ref, w2_ref, b2_ref, o_ref):
    xb = x_ref[...]
    a = agg_ref[0] + agg_ref[1]
    dg = deg_ref[0, :, 0:1] + deg_ref[1, :, 0:1]
    invd = 1.0 / jnp.maximum(dg, 1.0)
    ind = jnp.minimum(dg, 1.0)
    pre = jnp.dot(xb + a * invd, w1_ref[...],
                  preferred_element_type=jnp.float32)
    pre = pre + b1_ref[...] * (1.0 + ind)
    hid = jnp.maximum(pre, 0.0)
    o_ref[...] = (jnp.dot(hid, w2_ref[...],
                          preferred_element_type=jnp.float32) * 0.5
                  + b2_ref[...] * 0.5)


@functools.partial(jax.jit, static_argnames=("interpret",))
def _run(x, edge_index, W1, b1, W2, b2, interpret=False):
    n, d = x.shape
    e = edge_index.shape[1]
    h = W1.shape[1]
    out_d = W2.shape[1]
    k = 80
    assert e % (NW * k) == 0 and d % L == 0
    cpw = e // (NW * k)
    npt = ((n + NS * 128 - 1) // (NS * 128)) * 128
    n_pad = npt * NS

    src_flat = edge_index[0]
    dst_flat = edge_index[1]
    dst3d = dst_flat.reshape(NW, cpw, k)
    epw = cpw * k

    mesh = plsc.VectorSubcoreMesh(core_axis_name="c", subcore_axis_name="s",
                                  num_cores=NC, num_subcores=NS)

    zeros_pg = jnp.zeros((n_pad, d), jnp.float32)
    ones_pg = jnp.ones((k, d), jnp.float32)

    agg_t, deg_t = pl.kernel(
        functools.partial(_sc_agg_body, npt, cpw, k, d),
        out_type=[
            jax.ShapeDtypeStruct((NW, npt, d), jnp.float32),
            jax.ShapeDtypeStruct((NW, npt, d), jnp.float32),
        ],
        mesh=mesh,
        scratch_types=[
            pltpu.VMEM((epw,), jnp.int32),
            pltpu.VMEM((cpw, k), jnp.int32),
            pltpu.VMEM((k, d), jnp.float32),
            pltpu.VMEM((k, d), jnp.float32),
            pltpu.VMEM_SHARED((n_pad, d), jnp.float32),
            pltpu.SemaphoreType.DMA,
            pltpu.SemaphoreType.DMA,
            pltpu.SemaphoreType.DMA,
            pltpu.SemaphoreType.DMA,
        ],
        interpret=interpret,
    )(x, src_flat, dst3d, zeros_pg, ones_pg)

    agg = agg_t.reshape(NC, n_pad, d)
    deg = deg_t.reshape(NC, n_pad, d)

    bn = 1000
    grid = (n // bn,)
    nl_half = pl.pallas_call(
        _tc_fuse_body,
        grid=grid,
        in_specs=[
            pl.BlockSpec((bn, d), lambda i: (i, 0)),
            pl.BlockSpec((NC, bn, d), lambda i: (0, i, 0)),
            pl.BlockSpec((NC, bn, d), lambda i: (0, i, 0)),
            pl.BlockSpec((d, h), lambda i: (0, 0)),
            pl.BlockSpec((1, h), lambda i: (0, 0)),
            pl.BlockSpec((h, out_d), lambda i: (0, 0)),
            pl.BlockSpec((1, out_d), lambda i: (0, 0)),
        ],
        out_specs=pl.BlockSpec((bn, out_d), lambda i: (i, 0)),
        out_shape=jax.ShapeDtypeStruct((n, out_d), jnp.float32),
        interpret=interpret,
    )(x, agg, deg, W1, b1.reshape(1, h), W2, b2.reshape(1, out_d))

    edge_logits = pl.kernel(
        functools.partial(_sc_edge_body, cpw, k, out_d),
        out_type=jax.ShapeDtypeStruct((e, out_d), jnp.float32),
        mesh=mesh,
        scratch_types=[
            pltpu.VMEM((epw,), jnp.int32),
            pltpu.VMEM((epw,), jnp.int32),
            pltpu.VMEM((k, out_d), jnp.float32),
            pltpu.VMEM((k, out_d), jnp.float32),
            pltpu.VMEM((k, out_d), jnp.float32),
            pltpu.VMEM((k, out_d), jnp.float32),
            pltpu.VMEM((k, out_d), jnp.float32),
            pltpu.VMEM((k, out_d), jnp.float32),
            pltpu.VMEM((k, out_d), jnp.float32),
            pltpu.VMEM((k, out_d), jnp.float32),
            pltpu.VMEM((k, out_d), jnp.float32),
            pltpu.SemaphoreType.DMA,
            pltpu.SemaphoreType.DMA,
            pltpu.SemaphoreType.DMA,
            pltpu.SemaphoreType.DMA,
            pltpu.SemaphoreType.DMA,
            pltpu.SemaphoreType.DMA,
        ],
        interpret=interpret,
    )(nl_half, src_flat, dst_flat)

    return edge_logits


def kernel(x, edge_index, W1, b1, W2, b2):
    return _run(x, edge_index, W1, b1, W2, b2)

# --- scband reference (transcript-rebuilt; emitter-appended) ---
"""Pipeline reference for scband-wrapped-model-74113955660211 (READ-ONLY COPY).

The authoritative reference and input builder live on the scoring server;
editing this copy changes nothing except your own understanding.
"""

import jax, jax.numpy as jnp
import numpy as np

N = 10000
E = 320000
D = 128
H = 128
OUT = 128


def setup_inputs(seed: int = 0) -> dict:
    key = jax.random.key(seed)
    k1, k2, k3, k4 = jax.random.split(key, 4)
    x = jax.random.normal(k1, (N, D), dtype=jnp.float32)
    edge_index = jax.random.randint(k2, (2, E), 0, N, dtype=jnp.int32)
    # base_model parameters: 2-layer GCN-style model producing node_logits
    W1 = jax.random.normal(k3, (D, H), dtype=jnp.float32) * 0.05
    b1 = jnp.zeros((H,), dtype=jnp.float32)
    W2 = jax.random.normal(k4, (H, OUT), dtype=jnp.float32) * 0.05
    b2 = jnp.zeros((OUT,), dtype=jnp.float32)
    return {"x": x, "edge_index": edge_index, "W1": W1, "b1": b1, "W2": W2, "b2": b2}


def reference(x, edge_index, W1, b1, W2, b2):
    src = edge_index[0]
    dst = edge_index[1]
    # base_model forward: node_logits, _ = base_model(Data(x=x, edge_index=edge_index))
    h = x @ W1 + b1
    deg = jnp.zeros((N,), dtype=h.dtype).at[dst].add(1.0)
    deg = jnp.clip(deg, 1.0)
    agg = jnp.zeros((N, H), dtype=h.dtype).at[dst].add(jnp.take(h, src, axis=0))
    agg = agg / deg[:, None]
    hid = jax.nn.relu(h + agg)
    node_logits = hid @ W2 + b2
    # WrappedModel: edge_logits = (node_logits[edge_index[0]] + node_logits[edge_index[1]]) / 2
    edge_logits = (jnp.take(node_logits, src, axis=0) + jnp.take(node_logits, dst, axis=0)) / 2.0
    return edge_logits

if __name__ == "__main__":
    import jax
    _d = setup_inputs()
    print(jax.jit(kernel)(*tuple(_d.values())))

</pallas_src>

<mosaic_0001>
#map = affine_map<(d0, d1) -> (0, 0)>
#map1 = affine_map<(d0, d1) -> (0)>
module attributes {stable_mosaic.version = 14 : i64} {
  func.func @_sc_edge_body(%arg0: i32, %arg1: i32, %arg2: memref<10000x128xf32, #tpu.memory_space<hbm>>, %arg3: memref<320000xi32, #tpu.memory_space<hbm>>, %arg4: memref<320000xi32, #tpu.memory_space<hbm>>, %arg5: memref<320000x128xf32, #tpu.memory_space<hbm>>, %arg6: memref<10000xi32, #tpu.memory_space<vmem>>, %arg7: memref<10000xi32, #tpu.memory_space<vmem>>, %arg8: memref<80x128xf32, #tpu.memory_space<vmem>>, %arg9: memref<80x128xf32, #tpu.memory_space<vmem>>, %arg10: memref<80x128xf32, #tpu.memory_space<vmem>>, %arg11: memref<80x128xf32, #tpu.memory_space<vmem>>, %arg12: memref<80x128xf32, #tpu.memory_space<vmem>>, %arg13: memref<80x128xf32, #tpu.memory_space<vmem>>, %arg14: memref<80x128xf32, #tpu.memory_space<vmem>>, %arg15: memref<80x128xf32, #tpu.memory_space<vmem>>, %arg16: memref<80x128xf32, #tpu.memory_space<vmem>>, %arg17: memref<!tpu.dma_semaphore, #tpu.memory_space<semaphore_mem>>, %arg18: memref<!tpu.dma_semaphore, #tpu.memory_space<semaphore_mem>>, %arg19: memref<!tpu.dma_semaphore, #tpu.memory_space<semaphore_mem>>, %arg20: memref<!tpu.dma_semaphore, #tpu.memory_space<semaphore_mem>>, %arg21: memref<!tpu.dma_semaphore, #tpu.memory_space<semaphore_mem>>, %arg22: memref<!tpu.dma_semaphore, #tpu.memory_space<semaphore_mem>>) attributes {dimension_semantics = [#tpu.dimension_semantics<core_parallel>, #tpu.dimension_semantics<subcore_parallel>], iteration_bounds = array<i64: 2, 16>, scalar_prefetch = 0 : i64, scratch_operands = 17 : i64, tpu.core_type = #tpu.core_type<sc_vector_subcore>, window_params = [{transform_indices = #map}, {transform_indices = #map1}, {transform_indices = #map1}, {transform_indices = #map}]} {
    %mul3A = arith.constant 16 : i32
    %mul3A_0 = arith.muli %arg0, %mul3A : i32
    %add3A = arith.addi %mul3A_0, %arg1 : i32
    %mul3A_1 = arith.constant 10000 : i32
    %mul3A_2 = arith.muli %add3A, %mul3A_1 : i32
    "tpu.region"() ({
      %run_scoped3A = tpu.sem_alloc : memref<!tpu.dma_semaphore, #tpu.memory_space<semaphore_mem>>
      %dma_start3A_43 = tpu.memref_slice %arg3[%mul3A_2] : memref<320000xi32, #tpu.memory_space<hbm>> -> memref<10000xi32, #tpu.memory_space<hbm>>
      %dma_start3A_44 = tpu.memref_slice %arg3[%mul3A_2] : memref<320000xi32, #tpu.memory_space<hbm>> -> memref<10000xi32, #tpu.memory_space<hbm>>
      tpu.enqueue_dma source(%dma_start3A_44 : memref<10000xi32, #tpu.memory_space<hbm>>) target(%arg6 : memref<10000xi32, #tpu.memory_space<vmem>>) target_semaphore(%run_scoped3A : memref<!tpu.dma_semaphore, #tpu.memory_space<semaphore_mem>>)
      %dma_wait3A_45 = tpu.memref_slice %arg3[%mul3A_2] : memref<320000xi32, #tpu.memory_space<hbm>> -> memref<10000xi32, #tpu.memory_space<hbm>>
      %dma_wait3A_46 = tpu.memref_slice %arg3[%mul3A_2] : memref<320000xi32, #tpu.memory_space<hbm>> -> memref<10000xi32, #tpu.memory_space<hbm>>
      tpu.wait_dma2 semaphore(%run_scoped3A : memref<!tpu.dma_semaphore, #tpu.memory_space<semaphore_mem>>) src(%dma_wait3A_46 : memref<10000xi32, #tpu.memory_space<hbm>>) dst(%arg6 : memref<10000xi32, #tpu.memory_space<vmem>>)
      tpu.yield
    }) : () -> ()
    %mul3A_3 = arith.constant 10000 : i32
    %mul3A_4 = arith.muli %add3A, %mul3A_3 : i32
    "tpu.region"() ({
      %run_scoped3A = tpu.sem_alloc : memref<!tpu.dma_semaphore, #tpu.memory_space<semaphore_mem>>
      %dma_start3A_43 = tpu.memref_slice %arg4[%mul3A_4] : memref<320000xi32, #tpu.memory_space<hbm>> -> memref<10000xi32, #tpu.memory_space<hbm>>
      %dma_start3A_44 = tpu.memref_slice %arg4[%mul3A_4] : memref<320000xi32, #tpu.memory_space<hbm>> -> memref<10000xi32, #tpu.memory_space<hbm>>
      tpu.enqueue_dma source(%dma_start3A_44 : memref<10000xi32, #tpu.memory_space<hbm>>) target(%arg7 : memref<10000xi32, #tpu.memory_space<vmem>>) target_semaphore(%run_scoped3A : memref<!tpu.dma_semaphore, #tpu.memory_space<semaphore_mem>>)
      %dma_wait3A_45 = tpu.memref_slice %arg4[%mul3A_4] : memref<320000xi32, #tpu.memory_space<hbm>> -> memref<10000xi32, #tpu.memory_space<hbm>>
      %dma_wait3A_46 = tpu.memref_slice %arg4[%mul3A_4] : memref<320000xi32, #tpu.memory_space<hbm>> -> memref<10000xi32, #tpu.memory_space<hbm>>
      tpu.wait_dma2 semaphore(%run_scoped3A : memref<!tpu.dma_semaphore, #tpu.memory_space<semaphore_mem>>) src(%dma_wait3A_46 : memref<10000xi32, #tpu.memory_space<hbm>>) dst(%arg7 : memref<10000xi32, #tpu.memory_space<vmem>>)
      tpu.yield
    }) : () -> ()
    %mul3A_5 = arith.constant 10000 : i32
    %mul3A_6 = arith.muli %add3A, %mul3A_5 : i32
    %dma_start3A = arith.constant 0 : i32
    %dma_start3A_7 = tpu.memref_slice %arg6[%dma_start3A] : memref<10000xi32, #tpu.memory_space<vmem>> -> memref<80xi32, #tpu.memory_space<vmem>>
    %dma_start3A_8 = arith.constant 0 : i32
    %dma_start3A_9 = arith.constant 0 : i32
    %dma_start3A_10 = tpu.memref_slice %arg2[%dma_start3A_8, %dma_start3A_9] : memref<10000x128xf32, #tpu.memory_space<hbm>> -> memref<10000x128xf32, #tpu.memory_space<hbm>>
    tpu.enqueue_indirect_dma source(%dma_start3A_10 : memref<10000x128xf32, #tpu.memory_space<hbm>>) target(%arg8 : memref<80x128xf32, #tpu.memory_space<vmem>>) offsets(%dma_start3A_7 : memref<80xi32, #tpu.memory_space<vmem>>) semaphore(%arg17 : memref<!tpu.dma_semaphore, #tpu.memory_space<semaphore_mem>>)
    %dma_start3A_11 = arith.constant 0 : i32
    %dma_start3A_12 = tpu.memref_slice %arg7[%dma_start3A_11] : memref<10000xi32, #tpu.memory_space<vmem>> -> memref<80xi32, #tpu.memory_space<vmem>>
    %dma_start3A_13 = arith.constant 0 : i32
    %dma_start3A_14 = arith.constant 0 : i32
    %dma_start3A_15 = tpu.memref_slice %arg2[%dma_start3A_13, %dma_start3A_14] : memref<10000x128xf32, #tpu.memory_space<hbm>> -> memref<10000x128xf32, #tpu.memory_space<hbm>>
    tpu.enqueue_indirect_dma source(%dma_start3A_15 : memref<10000x128xf32, #tpu.memory_space<hbm>>) target(%arg11 : memref<80x128xf32, #tpu.memory_space<vmem>>) offsets(%dma_start3A_12 : memref<80xi32, #tpu.memory_space<vmem>>) semaphore(%arg17 : memref<!tpu.dma_semaphore, #tpu.memory_space<semaphore_mem>>)
    %dma_start3A_16 = arith.constant 80 : i32
    %dma_start3A_17 = tpu.memref_slice %arg6[%dma_start3A_16] : memref<10000xi32, #tpu.memory_space<vmem>> -> memref<80xi32, #tpu.memory_space<vmem>>
    %dma_start3A_18 = arith.constant 0 : i32
    %dma_start3A_19 = arith.constant 0 : i32
    %dma_start3A_20 = tpu.memref_slice %arg2[%dma_start3A_18, %dma_start3A_19] : memref<10000x128xf32, #tpu.memory_space<hbm>> -> memref<10000x128xf32, #tpu.memory_space<hbm>>
    tpu.enqueue_indirect_dma source(%dma_start3A_20 : memref<10000x128xf32, #tpu.memory_space<hbm>>) target(%arg9 : memref<80x128xf32, #tpu.memory_space<vmem>>) offsets(%dma_start3A_17 : memref<80xi32, #tpu.memory_space<vmem>>) semaphore(%arg18 : memref<!tpu.dma_semaphore, #tpu.memory_space<semaphore_mem>>)
    %dma_start3A_21 = arith.constant 80 : i32
    %dma_start3A_22 = tpu.memref_slice %arg7[%dma_start3A_21] : memref<10000xi32, #tpu.memory_space<vmem>> -> memref<80xi32, #tpu.memory_space<vmem>>
    %dma_start3A_23 = arith.constant 0 : i32
    %dma_start3A_24 = arith.constant 0 : i32
    %dma_start3A_25 = tpu.memref_slice %arg2[%dma_start3A_23, %dma_start3A_24] : memref<10000x128xf32, #tpu.memory_space<hbm>> -> memref<10000x128xf32, #tpu.memory_space<hbm>>
    tpu.enqueue_indirect_dma source(%dma_start3A_25 : memref<10000x128xf32, #tpu.memory_space<hbm>>) target(%arg12 : memref<80x128xf32, #tpu.memory_space<vmem>>) offsets(%dma_start3A_22 : memref<80xi32, #tpu.memory_space<vmem>>) semaphore(%arg18 : memref<!tpu.dma_semaphore, #tpu.memory_space<semaphore_mem>>)
    %scan3A = arith.constant 0 : i32
    %scan3A_26 = arith.constant 0 : i32
    %scan3A_27 = arith.constant 125 : i32
    %scan3A_28 = arith.addi %scan3A_26, %scan3A_27 : i32
    %scan3A_29 = arith.constant 1 : i32
    %scan3A_30 = scf.for %scan3A_43 = %scan3A_26 to %scan3A_28 step %scan3A_29 iter_args(%scan3A_44 = %scan3A) -> (i32)  : i32 {
      %jit3A = arith.constant 3 : i32
      %eq3A = arith.constant 0 : i32
      %eq3A_45 = arith.cmpi eq, %jit3A, %eq3A : i32
      %jit3A_46 = arith.constant 1 : i32
      %select_n3A = arith.select %eq3A_45, %jit3A_46, %jit3A : i32
      %rem3A = arith.remsi %scan3A_43, %select_n3A : i32
      %ne3A = arith.constant 0 : i32
      %ne3A_47 = arith.cmpi ne, %rem3A, %ne3A : i32
      %lt3A = arith.constant 0 : i32
      %lt3A_48 = arith.cmpi slt, %rem3A, %lt3A : i32
      %lt3A_49 = arith.constant 0 : i32
      %lt3A_50 = arith.cmpi slt, %select_n3A, %lt3A_49 : i32
      %ne3A_51 = arith.xori %lt3A_48, %lt3A_50 : i1
      %and3A = arith.andi %ne3A_51, %ne3A_47 : i1
      %add3A_52 = arith.addi %rem3A, %select_n3A : i32
      %select_n3A_53 = arith.select %and3A, %add3A_52, %rem3A : i32
      %eq3A_54 = arith.constant 0 : i32
      %eq3A_55 = arith.cmpi eq, %select_n3A_53, %eq3A_54 : i32
      %convert_element_type3A = arith.extui %eq3A_55 : i1 to i32
      %cond3A = arith.constant 0 : i32
      %cond3A_56 = arith.cmpi ne, %convert_element_type3A, %cond3A : i32
      scf.if %cond3A_56 {
        %add3A_100 = arith.constant 2 : i32
        %add3A_101 = arith.addi %scan3A_43, %add3A_100 : i32
        %lt3A_102 = arith.constant 125 : i32
        %lt3A_103 = arith.cmpi slt, %add3A_101, %lt3A_102 : i32
        %convert_element_type3A_104 = arith.extui %lt3A_103 : i1 to i32
        %cond3A_105 = arith.constant 0 : i32
        %cond3A_106 = arith.cmpi ne, %convert_element_type3A_104, %cond3A_105 : i32
        scf.if %cond3A_106 {
          %add3A_137 = arith.constant 2 : i32
          %add3A_138 = arith.addi %scan3A_43, %add3A_137 : i32
          %mul3A_139 = arith.constant 80 : i32
          %mul3A_140 = arith.muli %add3A_138, %mul3A_139 : i32
          %dma_start3A_141 = tpu.memref_slice %arg6[%mul3A_140] : memref<10000xi32, #tpu.memory_space<vmem>> -> memref<80xi32, #tpu.memory_space<vmem>>
          %dma_start3A_142 = arith.constant 0 : i32
          %dma_start3A_143 = arith.constant 0 : i32
          %dma_start3A_144 = tpu.memref_slice %arg2[%dma_start3A_142, %dma_start3A_143] : memref<10000x128xf32, #tpu.memory_space<hbm>> -> memref<10000x128xf32, #tpu.memory_space<hbm>>
          tpu.enqueue_indirect_dma source(%dma_start3A_144 : memref<10000x128xf32, #tpu.memory_space<hbm>>) target(%arg10 : memref<80x128xf32, #tpu.memory_space<vmem>>) offsets(%dma_start3A_141 : memref<80xi32, #tpu.memory_space<vmem>>) semaphore(%arg19 : memref<!tpu.dma_semaphore, #tpu.memory_space<semaphore_mem>>)
          %mul3A_145 = arith.constant 80 : i32
          %mul3A_146 = arith.muli %add3A_138, %mul3A_145 : i32
          %dma_start3A_147 = tpu.memref_slice %arg7[%mul3A_146] : memref<10000xi32, #tpu.memory_space<vmem>> -> memref<80xi32, #tpu.memory_space<vmem>>
          %dma_start3A_148 = arith.constant 0 : i32
          %dma_start3A_149 = arith.constant 0 : i32
          %dma_start3A_150 = tpu.memref_slice %arg2[%dma_start3A_148, %dma_start3A_149] : memref<10000x128xf32, #tpu.memory_space<hbm>> -> memref<10000x128xf32, #tpu.memory_space<hbm>>
          tpu.enqueue_indirect_dma source(%dma_start3A_150 : memref<10000x128xf32, #tpu.memory_space<hbm>>) target(%arg13 : memref<80x128xf32, #tpu.memory_space<vmem>>) offsets(%dma_start3A_147 : memref<80xi32, #tpu.memory_space<vmem>>) semaphore(%arg19 : memref<!tpu.dma_semaphore, #tpu.memory_space<semaphore_mem>>)
        } else {
        }
        %mul3A_107 = arith.constant 80 : i32
        %mul3A_108 = arith.muli %scan3A_43, %mul3A_107 : i32
        %dma_wait3A_109 = tpu.memref_slice %arg6[%mul3A_108] : memref<10000xi32, #tpu.memory_space<vmem>> -> memref<80xi32, #tpu.memory_space<vmem>>
        %dma_wait3A_110 = arith.constant 0 : i32
        %dma_wait3A_111 = arith.constant 0 : i32
        %dma_wait3A_112 = tpu.memref_slice %arg2[%dma_wait3A_110, %dma_wait3A_111] : memref<10000x128xf32, #tpu.memory_space<hbm>> -> memref<10000x128xf32, #tpu.memory_space<hbm>>
        tpu.wait_indirect_dma semaphore(%arg17 : memref<!tpu.dma_semaphore, #tpu.memory_space<semaphore_mem>>) src(%dma_wait3A_112 : memref<10000x128xf32, #tpu.memory_space<hbm>>) dst(%arg8 : memref<80x128xf32, #tpu.memory_space<vmem>>)
        %mul3A_113 = arith.constant 80 : i32
        %mul3A_114 = arith.muli %scan3A_43, %mul3A_113 : i32
        %dma_wait3A_115 = tpu.memref_slice %arg7[%mul3A_114] : memref<10000xi32, #tpu.memory_space<vmem>> -> memref<80xi32, #tpu.memory_space<vmem>>
        %dma_wait3A_116 = arith.constant 0 : i32
        %dma_wait3A_117 = arith.constant 0 : i32
        %dma_wait3A_118 = tpu.memref_slice %arg2[%dma_wait3A_116, %dma_wait3A_117] : memref<10000x128xf32, #tpu.memory_space<hbm>> -> memref<10000x128xf32, #tpu.memory_space<hbm>>
        tpu.wait_indirect_dma semaphore(%arg17 : memref<!tpu.dma_semaphore, #tpu.memory_space<semaphore_mem>>) src(%dma_wait3A_118 : memref<10000x128xf32, #tpu.memory_space<hbm>>) dst(%arg11 : memref<80x128xf32, #tpu.memory_space<vmem>>)
        %ge3A = arith.constant 3 : i32
        %ge3A_119 = arith.cmpi sge, %scan3A_43, %ge3A : i32
        %convert_element_type3A_120 = arith.extui %ge3A_119 : i1 to i32
        %cond3A_121 = arith.constant 0 : i32
        %cond3A_122 = arith.cmpi ne, %convert_element_type3A_120, %cond3A_121 : i32
        scf.if %cond3A_122 {
          %mul3A_137 = arith.constant 80 : i32
          %mul3A_138 = arith.muli %scan3A_43, %mul3A_137 : i32
          %add3A_139 = arith.addi %mul3A_6, %mul3A_138 : i32
          %dma_wait3A_140 = arith.constant 0 : i32
          %dma_wait3A_141 = tpu.memref_slice %arg5[%add3A_139, %dma_wait3A_140] : memref<320000x128xf32, #tpu.memory_space<hbm>> -> memref<80x128xf32, #tpu.memory_space<hbm>>
          %dma_wait3A_142 = arith.constant 0 : i32
          %dma_wait3A_143 = tpu.memref_slice %arg5[%add3A_139, %dma_wait3A_142] : memref<320000x128xf32, #tpu.memory_space<hbm>> -> memref<80x128xf32, #tpu.memory_space<hbm>>
          tpu.wait_dma2 semaphore(%arg20 : memref<!tpu.dma_semaphore, #tpu.memory_space<semaphore_mem>>) src(%arg14 : memref<80x128xf32, #tpu.memory_space<vmem>>) dst(%dma_wait3A_143 : memref<80x128xf32, #tpu.memory_space<hbm>>)
        } else {
        }
        %scan3A_123 = arith.constant 0 : i32
        %scan3A_124 = arith.constant 0 : i32
        %scan3A_125 = arith.constant 80 : i32
        %scan3A_126 = arith.addi %scan3A_124, %scan3A_125 : i32
        %scan3A_127 = arith.constant 1 : i32
        %scan3A_128 = scf.for %scan3A_137 = %scan3A_124 to %scan3A_126 step %scan3A_127 iter_args(%scan3A_138 = %scan3A_123) -> (i32)  : i32 {
          %get3A = arith.index_cast %scan3A_137 : i32 to index
          %get3A_139 = arith.constant 0 : index
          %get3A_140 = tpu.vector_load %arg8[%get3A, %get3A_139] {strides = array<i32>} : memref<80x128xf32, #tpu.memory_space<vmem>>, vector<1x16xf32>,
          %get3A_141 = vector.shape_cast %get3A_140 : vector<1x16xf32> to vector<16xf32>
          %get3A_142 = arith.index_cast %scan3A_137 : i32 to index
          %get3A_143 = arith.constant 0 : index
          %get3A_144 = tpu.vector_load %arg11[%get3A_142, %get3A_143] {strides = array<i32>} : memref<80x128xf32, #tpu.memory_space<vmem>>, vector<1x16xf32>,
          %get3A_145 = vector.shape_cast %get3A_144 : vector<1x16xf32> to vector<16xf32>
          %add3A_146 = arith.addf %get3A_141, %get3A_145 : vector<16xf32>
          %swap3A = arith.index_cast %scan3A_137 : i32 to index
          %swap3A_147 = arith.constant 0 : index
          %swap3A_148 = tpu.vector_load %arg14[%swap3A, %swap3A_147] {strides = array<i32>} : memref<80x128xf32, #tpu.memory_space<vmem>>, vector<1x16xf32>,
          %swap3A_149 = vector.shape_cast %swap3A_148 : vector<1x16xf32> to vector<16xf32>
          %swap3A_150 = vector.shape_cast %add3A_146 : vector<16xf32> to vector<1x16xf32>
          tpu.vector_store %arg14[%swap3A, %swap3A_147], %swap3A_150 {strides = array<i32>} : memref<80x128xf32, #tpu.memory_space<vmem>>, vector<1x16xf32>,
          %get3A_151 = arith.index_cast %scan3A_137 : i32 to index
          %get3A_152 = arith.constant 16 : index
          %get3A_153 = tpu.vector_load %arg8[%get3A_151, %get3A_152] {strides = array<i32>} : memref<80x128xf32, #tpu.memory_space<vmem>>, vector<1x16xf32>,
          %get3A_154 = vector.shape_cast %get3A_153 : vector<1x16xf32> to vector<16xf32>
          %get3A_155 = arith.index_cast %scan3A_137 : i32 to index
          %get3A_156 = arith.constant 16 : index
          %get3A_157 = tpu.vector_load %arg11[%get3A_155, %get3A_156] {strides = array<i32>} : memref<80x128xf32, #tpu.memory_space<vmem>>, vector<1x16xf32>,
          %get3A_158 = vector.shape_cast %get3A_157 : vector<1x16xf32> to vector<16xf32>
          %add3A_159 = arith.addf %get3A_154, %get3A_158 : vector<16xf32>
          %swap3A_160 = arith.index_cast %scan3A_137 : i32 to index
          %swap3A_161 = arith.constant 16 : index
          %swap3A_162 = tpu.vector_load %arg14[%swap3A_160, %swap3A_161] {strides = array<i32>} : memref<80x128xf32, #tpu.memory_space<vmem>>, vector<1x16xf32>,
          %swap3A_163 = vector.shape_cast %swap3A_162 : vector<1x16xf32> to vector<16xf32>
          %swap3A_164 = vector.shape_cast %add3A_159 : vector<16xf32> to vector<1x16xf32>
          tpu.vector_store %arg14[%swap3A_160, %swap3A_161], %swap3A_164 {strides = array<i32>} : memref<80x128xf32, #tpu.memory_space<vmem>>, vector<1x16xf32>,
          %get3A_165 = arith.index_cast %scan3A_137 : i32 to index
          %get3A_166 = arith.constant 32 : index
          %get3A_167 = tpu.vector_load %arg8[%get3A_165, %get3A_166] {strides = array<i32>} : memref<80x128xf32, #tpu.memory_space<vmem>>, vector<1x16xf32>,
          %get3A_168 = vector.shape_cast %get3A_167 : vector<1x16xf32> to vector<16xf32>
          %get3A_169 = arith.index_cast %scan3A_137 : i32 to index
          %get3A_170 = arith.constant 32 : index
          %get3A_171 = tpu.vector_load %arg11[%get3A_169, %get3A_170] {strides = array<i32>} : memref<80x128xf32, #tpu.memory_space<vmem>>, vector<1x16xf32>,
          %get3A_172 = vector.shape_cast %get3A_171 : vector<1x16xf32> to vector<16xf32>
          %add3A_173 = arith.addf %get3A_168, %get3A_172 : vector<16xf32>
          %swap3A_174 = arith.index_cast %scan3A_137 : i32 to index
          %swap3A_175 = arith.constant 32 : index
          %swap3A_176 = tpu.vector_load %arg14[%swap3A_174, %swap3A_175] {strides = array<i32>} : memref<80x128xf32, #tpu.memory_space<vmem>>, vector<1x16xf32>,
          %swap3A_177 = vector.shape_cast %swap3A_176 : vector<1x16xf32> to vector<16xf32>
          %swap3A_178 = vector.shape_cast %add3A_173 : vector<16xf32> to vector<1x16xf32>
          tpu.vector_store %arg14[%swap3A_174, %swap3A_175], %swap3A_178 {strides = array<i32>} : memref<80x128xf32, #tpu.memory_space<vmem>>, vector<1x16xf32>,
          %get3A_179 = arith.index_cast %scan3A_137 : i32 to index
          %get3A_180 = arith.constant 48 : index
          %get3A_181 = tpu.vector_load %arg8[%get3A_179, %get3A_180] {strides = array<i32>} : memref<80x128xf32, #tpu.memory_space<vmem>>, vector<1x16xf32>,
          %get3A_182 = vector.shape_cast %get3A_181 : vector<1x16xf32> to vector<16xf32>
          %get3A_183 = arith.index_cast %scan3A_137 : i32 to index
          %get3A_184 = arith.constant 48 : index
          %get3A_185 = tpu.vector_load %arg11[%get3A_183, %get3A_184] {strides = array<i32>} : memref<80x128xf32, #tpu.memory_space<vmem>>, vector<1x16xf32>,
          %get3A_186 = vector.shape_cast %get3A_185 : vector<1x16xf32> to vector<16xf32>
          %add3A_187 = arith.addf %get3A_182, %get3A_186 : vector<16xf32>
          %swap3A_188 = arith.index_cast %scan3A_137 : i32 to index
          %swap3A_189 = arith.constant 48 : index
          %swap3A_190 = tpu.vector_load %arg14[%swap3A_188, %swap3A_189] {strides = array<i32>} : memref<80x128xf32, #tpu.memory_space<vmem>>, vector<1x16xf32>,
          %swap3A_191 = vector.shape_cast %swap3A_190 : vector<1x16xf32> to vector<16xf32>
          %swap3A_192 = vector.shape_cast %add3A_187 : vector<16xf32> to vector<1x16xf32>
          tpu.vector_store %arg14[%swap3A_188, %swap3A_189], %swap3A_192 {strides = array<i32>} : memref<80x128xf32, #tpu.memory_space<vmem>>, vector<1x16xf32>,
          %get3A_193 = arith.index_cast %scan3A_137 : i32 to index
          %get3A_194 = arith.constant 64 : index
          %get3A_195 = tpu.vector_load %arg8[%get3A_193, %get3A_194] {strides = array<i32>} : memref<80x128xf32, #tpu.memory_space<vmem>>, vector<1x16xf32>,
          %get3A_196 = vector.shape_cast %get3A_195 : vector<1x16xf32> to vector<16xf32>
          %get3A_197 = arith.index_cast %scan3A_137 : i32 to index
          %get3A_198 = arith.constant 64 : index
          %get3A_199 = tpu.vector_load %arg11[%get3A_197, %get3A_198] {strides = array<i32>} : memref<80x128xf32, #tpu.memory_space<vmem>>, vector<1x16xf32>,
          %get3A_200 = vector.shape_cast %get3A_199 : vector<1x16xf32> to vector<16xf32>
          %add3A_201 = arith.addf %get3A_196, %get3A_200 : vector<16xf32>
          %swap3A_202 = arith.index_cast %scan3A_137 : i32 to index
          %swap3A_203 = arith.constant 64 : index
          %swap3A_204 = tpu.vector_load %arg14[%swap3A_202, %swap3A_203] {strides = array<i32>} : memref<80x128xf32, #tpu.memory_space<vmem>>, vector<1x16xf32>,
          %swap3A_205 = vector.shape_cast %swap3A_204 : vector<1x16xf32> to vector<16xf32>
          %swap3A_206 = vector.shape_cast %add3A_201 : vector<16xf32> to vector<1x16xf32>
          tpu.vector_store %arg14[%swap3A_202, %swap3A_203], %swap3A_206 {strides = array<i32>} : memref<80x128xf32, #tpu.memory_space<vmem>>, vector<1x16xf32>,
          %get3A_207 = arith.index_cast %scan3A_137 : i32 to index
          %get3A_208 = arith.constant 80 : index
          %get3A_209 = tpu.vector_load %arg8[%get3A_207, %get3A_208] {strides = array<i32>} : memref<80x128xf32, #tpu.memory_space<vmem>>, vector<1x16xf32>,
          %get3A_210 = vector.shape_cast %get3A_209 : vector<1x16xf32> to vector<16xf32>
          %get3A_211 = arith.index_cast %scan3A_137 : i32 to index
          %get3A_212 = arith.constant 80 : index
          %get3A_213 = tpu.vector_load %arg11[%get3A_211, %get3A_212] {strides = array<i32>} : memref<80x128xf32, #tpu.memory_space<vmem>>, vector<1x16xf32>,
          %get3A_214 = vector.shape_cast %get3A_213 : vector<1x16xf32> to vector<16xf32>
          %add3A_215 = arith.addf %get3A_210, %get3A_214 : vector<16xf32>
          %swap3A_216 = arith.index_cast %scan3A_137 : i32 to index
          %swap3A_217 = arith.constant 80 : index
          %swap3A_218 = tpu.vector_load %arg14[%swap3A_216, %swap3A_217] {strides = array<i32>} : memref<80x128xf32, #tpu.memory_space<vmem>>, vector<1x16xf32>,
          %swap3A_219 = vector.shape_cast %swap3A_218 : vector<1x16xf32> to vector<16xf32>
          %swap3A_220 = vector.shape_cast %add3A_215 : vector<16xf32> to vector<1x16xf32>
          tpu.vector_store %arg14[%swap3A_216, %swap3A_217], %swap3A_220 {strides = array<i32>} : memref<80x128xf32, #tpu.memory_space<vmem>>, vector<1x16xf32>,
          %get3A_221 = arith.index_cast %scan3A_137 : i32 to index
          %get3A_222 = arith.constant 96 : index
          %get3A_223 = tpu.vector_load %arg8[%get3A_221, %get3A_222] {strides = array<i32>} : memref<80x128xf32, #tpu.memory_space<vmem>>, vector<1x16xf32>,
          %get3A_224 = vector.shape_cast %get3A_223 : vector<1x16xf32> to vector<16xf32>
          %get3A_225 = arith.index_cast %scan3A_137 : i32 to index
          %get3A_226 = arith.constant 96 : index
          %get3A_227 = tpu.vector_load %arg11[%get3A_225, %get3A_226] {strides = array<i32>} : memref<80x128xf32, #tpu.memory_space<vmem>>, vector<1x16xf32>,
          %get3A_228 = vector.shape_cast %get3A_227 : vector<1x16xf32> to vector<16xf32>
          %add3A_229 = arith.addf %get3A_224, %get3A_228 : vector<16xf32>
          %swap3A_230 = arith.index_cast %scan3A_137 : i32 to index
          %swap3A_231 = arith.constant 96 : index
          %swap3A_232 = tpu.vector_load %arg14[%swap3A_230, %swap3A_231] {strides = array<i32>} : memref<80x128xf32, #tpu.memory_space<vmem>>, vector<1x16xf32>,
          %swap3A_233 = vector.shape_cast %swap3A_232 : vector<1x16xf32> to vector<16xf32>
          %swap3A_234 = vector.shape_cast %add3A_229 : vector<16xf32> to vector<1x16xf32>
          tpu.vector_store %arg14[%swap3A_230, %swap3A_231], %swap3A_234 {strides = array<i32>} : memref<80x128xf32, #tpu.memory_space<vmem>>, vector<1x16xf32>,
          %get3A_235 = arith.index_cast %scan3A_137 : i32 to index
          %get3A_236 = arith.constant 112 : index
          %get3A_237 = tpu.vector_load %arg8[%get3A_235, %get3A_236] {strides = array<i32>} : memref<80x128xf32, #tpu.memory_space<vmem>>, vector<1x16xf32>,
          %get3A_238 = vector.shape_cast %get3A_237 : vector<1x16xf32> to vector<16xf32>
          %get3A_239 = arith.index_cast %scan3A_137 : i32 to index
          %get3A_240 = arith.constant 112 : index
          %get3A_241 = tpu.vector_load %arg11[%get3A_239, %get3A_240] {strides = array<i32>} : memref<80x128xf32, #tpu.memory_space<vmem>>, vector<1x16xf32>,
          %get3A_242 = vector.shape_cast %get3A_241 : vector<1x16xf32> to vector<16xf32>
          %add3A_243 = arith.addf %get3A_238, %get3A_242 : vector<16xf32>
          %swap3A_244 = arith.index_cast %scan3A_137 : i32 to index
          %swap3A_245 = arith.constant 112 : index
          %swap3A_246 = tpu.vector_load %arg14[%swap3A_244, %swap3A_245] {strides = array<i32>} : memref<80x128xf32, #tpu.memory_space<vmem>>, vector<1x16xf32>,
          %swap3A_247 = vector.shape_cast %swap3A_246 : vector<1x16xf32> to vector<16xf32>
          %swap3A_248 = vector.shape_cast %add3A_243 : vector<16xf32> to vector<1x16xf32>
          tpu.vector_store %arg14[%swap3A_244, %swap3A_245], %swap3A_248 {strides = array<i32>} : memref<80x128xf32, #tpu.memory_space<vmem>>, vector<1x16xf32>,
          %scan3A_249 = arith.constant 0 : i32
          scf.yield %scan3A_249 : i32
        }
        %scan3A_129 = arith.constant 80 : i32
        %mul3A_130 = arith.constant 80 : i32
        %mul3A_131 = arith.muli %scan3A_43, %mul3A_130 : i32
        %add3A_132 = arith.addi %mul3A_6, %mul3A_131 : i32
        %dma_start3A_133 = arith.constant 0 : i32
        %dma_start3A_134 = tpu.memref_slice %arg5[%add3A_132, %dma_start3A_133] : memref<320000x128xf32, #tpu.memory_space<hbm>> -> memref<80x128xf32, #tpu.memory_space<hbm>>
        %dma_start3A_135 = arith.constant 0 : i32
        %dma_start3A_136 = tpu.memref_slice %arg5[%add3A_132, %dma_start3A_135] : memref<320000x128xf32, #tpu.memory_space<hbm>> -> memref<80x128xf32, #tpu.memory_space<hbm>>
        tpu.enqueue_dma source(%arg14 : memref<80x128xf32, #tpu.memory_space<vmem>>) target(%dma_start3A_136 : memref<80x128xf32, #tpu.memory_space<hbm>>) target_semaphore(%arg20 : memref<!tpu.dma_semaphore, #tpu.memory_space<semaphore_mem>>)
      } else {
      }
      %jit3A_57 = arith.constant 3 : i32
      %eq3A_58 = arith.constant 0 : i32
      %eq3A_59 = arith.cmpi eq, %jit3A_57, %eq3A_58 : i32
      %jit3A_60 = arith.constant 1 : i32
      %select_n3A_61 = arith.select %eq3A_59, %jit3A_60, %jit3A_57 : i32
      %rem3A_62 = arith.remsi %scan3A_43, %select_n3A_61 : i32
      %ne3A_63 = arith.constant 0 : i32
      %ne3A_64 = arith.cmpi ne, %rem3A_62, %ne3A_63 : i32
      %lt3A_65 = arith.constant 0 : i32
      %lt3A_66 = arith.cmpi slt, %rem3A_62, %lt3A_65 : i32
      %lt3A_67 = arith.constant 0 : i32
      %lt3A_68 = arith.cmpi slt, %select_n3A_61, %lt3A_67 : i32
      %ne3A_69 = arith.xori %lt3A_66, %lt3A_68 : i1
      %and3A_70 = arith.andi %ne3A_69, %ne3A_64 : i1
      %add3A_71 = arith.addi %rem3A_62, %select_n3A_61 : i32
      %select_n3A_72 = arith.select %and3A_70, %add3A_71, %rem3A_62 : i32
      %eq3A_73 = arith.constant 1 : i32
      %eq3A_74 = arith.cmpi eq, %select_n3A_72, %eq3A_73 : i32
      %convert_element_type3A_75 = arith.extui %eq3A_74 : i1 to i32
      %cond3A_76 = arith.constant 0 : i32
      %cond3A_77 = arith.cmpi ne, %convert_element_type3A_75, %cond3A_76 : i32
      scf.if %cond3A_77 {
        %add3A_100 = arith.constant 2 : i32
        %add3A_101 = arith.addi %scan3A_43, %add3A_100 : i32
        %lt3A_102 = arith.constant 125 : i32
        %lt3A_103 = arith.cmpi slt, %add3A_101, %lt3A_102 : i32
        %convert_element_type3A_104 = arith.extui %lt3A_103 : i1 to i32
        %cond3A_105 = arith.constant 0 : i32
        %cond3A_106 = arith.cmpi ne, %convert_element_type3A_104, %cond3A_105 : i32
        scf.if %cond3A_106 {
          %add3A_137 = arith.constant 2 : i32
          %add3A_138 = arith.addi %scan3A_43, %add3A_137 : i32
          %mul3A_139 = arith.constant 80 : i32
          %mul3A_140 = arith.muli %add3A_138, %mul3A_139 : i32
          %dma_start3A_141 = tpu.memref_slice %arg6[%mul3A_140] : memref<10000xi32, #tpu.memory_space<vmem>> -> memref<80xi32, #tpu.memory_space<vmem>>
          %dma_start3A_142 = arith.constant 0 : i32
          %dma_start3A_143 = arith.constant 0 : i32
          %dma_start3A_144 = tpu.memref_slice %arg2[%dma_start3A_142, %dma_start3A_143] : memref<10000x128xf32, #tpu.memory_space<hbm>> -> memref<10000x128xf32, #tpu.memory_space<hbm>>
          tpu.enqueue_indirect_dma source(%dma_start3A_144 : memref<10000x128xf32, #tpu.memory_space<hbm>>) target(%arg8 : memref<80x128xf32, #tpu.memory_space<vmem>>) offsets(%dma_start3A_141 : memref<80xi32, #tpu.memory_space<vmem>>) semaphore(%arg17 : memref<!tpu.dma_semaphore, #tpu.memory_space<semaphore_mem>>)
          %mul3A_145 = arith.constant 80 : i32
          %mul3A_146 = arith.muli %add3A_138, %mul3A_145 : i32
          %dma_start3A_147 = tpu.memref_slice %arg7[%mul3A_146] : memref<10000xi32, #tpu.memory_space<vmem>> -> memref<80xi32, #tpu.memory_space<vmem>>
          %dma_start3A_148 = arith.constant 0 : i32
          %dma_start3A_149 = arith.constant 0 : i32
          %dma_start3A_150 = tpu.memref_slice %arg2[%dma_start3A_148, %dma_start3A_149] : memref<10000x128xf32, #tpu.memory_space<hbm>> -> memref<10000x128xf32, #tpu.memory_space<hbm>>
          tpu.enqueue_indirect_dma source(%dma_start3A_150 : memref<10000x128xf32, #tpu.memory_space<hbm>>) target(%arg11 : memref<80x128xf32, #tpu.memory_space<vmem>>) offsets(%dma_start3A_147 : memref<80xi32, #tpu.memory_space<vmem>>) semaphore(%arg17 : memref<!tpu.dma_semaphore, #tpu.memory_space<semaphore_mem>>)
        } else {
        }
        %mul3A_107 = arith.constant 80 : i32
        %mul3A_108 = arith.muli %scan3A_43, %mul3A_107 : i32
        %dma_wait3A_109 = tpu.memref_slice %arg6[%mul3A_108] : memref<10000xi32, #tpu.memory_space<vmem>> -> memref<80xi32, #tpu.memory_space<vmem>>
        %dma_wait3A_110 = arith.constant 0 : i32
        %dma_wait3A_111 = arith.constant 0 : i32
        %dma_wait3A_112 = tpu.memref_slice %arg2[%dma_wait3A_110, %dma_wait3A_111] : memref<10000x128xf32, #tpu.memory_space<hbm>> -> memref<10000x128xf32, #tpu.memory_space<hbm>>
        tpu.wait_indirect_dma semaphore(%arg18 : memref<!tpu.dma_semaphore, #tpu.memory_space<semaphore_mem>>) src(%dma_wait3A_112 : memref<10000x128xf32, #tpu.memory_space<hbm>>) dst(%arg9 : memref<80x128xf32, #tpu.memory_space<vmem>>)
        %mul3A_113 = arith.constant 80 : i32
        %mul3A_114 = arith.muli %scan3A_43, %mul3A_113 : i32
        %dma_wait3A_115 = tpu.memref_slice %arg7[%mul3A_114] : memref<10000xi32, #tpu.memory_space<vmem>> -> memref<80xi32, #tpu.memory_space<vmem>>
        %dma_wait3A_116 = arith.constant 0 : i32
        %dma_wait3A_117 = arith.constant 0 : i32
        %dma_wait3A_118 = tpu.memref_slice %arg2[%dma_wait3A_116, %dma_wait3A_117] : memref<10000x128xf32, #tpu.memory_space<hbm>> -> memref<10000x128xf32, #tpu.memory_space<hbm>>
        tpu.wait_indirect_dma semaphore(%arg18 : memref<!tpu.dma_semaphore, #tpu.memory_space<semaphore_mem>>) src(%dma_wait3A_118 : memref<10000x128xf32, #tpu.memory_space<hbm>>) dst(%arg12 : memref<80x128xf32, #tpu.memory_space<vmem>>)
        %ge3A = arith.constant 3 : i32
        %ge3A_119 = arith.cmpi sge, %scan3A_43, %ge3A : i32
        %convert_element_type3A_120 = arith.extui %ge3A_119 : i1 to i32
        %cond3A_121 = arith.constant 0 : i32
        %cond3A_122 = arith.cmpi ne, %convert_element_type3A_120, %cond3A_121 : i32
        scf.if %cond3A_122 {
          %mul3A_137 = arith.constant 80 : i32
          %mul3A_138 = arith.muli %scan3A_43, %mul3A_137 : i32
          %add3A_139 = arith.addi %mul3A_6, %mul3A_138 : i32
          %dma_wait3A_140 = arith.constant 0 : i32
          %dma_wait3A_141 = tpu.memref_slice %arg5[%add3A_139, %dma_wait3A_140] : memref<320000x128xf32, #tpu.memory_space<hbm>> -> memref<80x128xf32, #tpu.memory_space<hbm>>
          %dma_wait3A_142 = arith.constant 0 : i32
          %dma_wait3A_143 = tpu.memref_slice %arg5[%add3A_139, %dma_wait3A_142] : memref<320000x128xf32, #tpu.memory_space<hbm>> -> memref<80x128xf32, #tpu.memory_space<hbm>>
          tpu.wait_dma2 semaphore(%arg21 : memref<!tpu.dma_semaphore, #tpu.memory_space<semaphore_mem>>) src(%arg15 : memref<80x128xf32, #tpu.memory_space<vmem>>) dst(%dma_wait3A_143 : memref<80x128xf32, #tpu.memory_space<hbm>>)
        } else {
        }
        %scan3A_123 = arith.constant 0 : i32
        %scan3A_124 = arith.constant 0 : i32
        %scan3A_125 = arith.constant 80 : i32
        %scan3A_126 = arith.addi %scan3A_124, %scan3A_125 : i32
        %scan3A_127 = arith.constant 1 : i32
        %scan3A_128 = scf.for %scan3A_137 = %scan3A_124 to %scan3A_126 step %scan3A_127 iter_args(%scan3A_138 = %scan3A_123) -> (i32)  : i32 {
          %get3A = arith.index_cast %scan3A_137 : i32 to index
          %get3A_139 = arith.constant 0 : index
          %get3A_140 = tpu.vector_load %arg9[%get3A, %get3A_139] {strides = array<i32>} : memref<80x128xf32, #tpu.memory_space<vmem>>, vector<1x16xf32>,
          %get3A_141 = vector.shape_cast %get3A_140 : vector<1x16xf32> to vector<16xf32>
          %get3A_142 = arith.index_cast %scan3A_137 : i32 to index
          %get3A_143 = arith.constant 0 : index
          %get3A_144 = tpu.vector_load %arg12[%get3A_142, %get3A_143] {strides = array<i32>} : memref<80x128xf32, #tpu.memory_space<vmem>>, vector<1x16xf32>,
          %get3A_145 = vector.shape_cast %get3A_144 : vector<1x16xf32> to vector<16xf32>
          %add3A_146 = arith.addf %get3A_141, %get3A_145 : vector<16xf32>
          %swap3A = arith.index_cast %scan3A_137 : i32 to index
          %swap3A_147 = arith.constant 0 : index
          %swap3A_148 = tpu.vector_load %arg15[%swap3A, %swap3A_147] {strides = array<i32>} : memref<80x128xf32, #tpu.memory_space<vmem>>, vector<1x16xf32>,
          %swap3A_149 = vector.shape_cast %swap3A_148 : vector<1x16xf32> to vector<16xf32>
          %swap3A_150 = vector.shape_cast %add3A_146 : vector<16xf32> to vector<1x16xf32>
          tpu.vector_store %arg15[%swap3A, %swap3A_147], %swap3A_150 {strides = array<i32>} : memref<80x128xf32, #tpu.memory_space<vmem>>, vector<1x16xf32>,
          %get3A_151 = arith.index_cast %scan3A_137 : i32 to index
          %get3A_152 = arith.constant 16 : index
          %get3A_153 = tpu.vector_load %arg9[%get3A_151, %get3A_152] {strides = array<i32>} : memref<80x128xf32, #tpu.memory_space<vmem>>, vector<1x16xf32>,
          %get3A_154 = vector.shape_cast %get3A_153 : vector<1x16xf32> to vector<16xf32>
          %get3A_155 = arith.index_cast %scan3A_137 : i32 to index
          %get3A_156 = arith.constant 16 : index
          %get3A_157 = tpu.vector_load %arg12[%get3A_155, %get3A_156] {strides = array<i32>} : memref<80x128xf32, #tpu.memory_space<vmem>>, vector<1x16xf32>,
          %get3A_158 = vector.shape_cast %get3A_157 : vector<1x16xf32> to vector<16xf32>
          %add3A_159 = arith.addf %get3A_154, %get3A_158 : vector<16xf32>
          %swap3A_160 = arith.index_cast %scan3A_137 : i32 to index
          %swap3A_161 = arith.constant 16 : index
          %swap3A_162 = tpu.vector_load %arg15[%swap3A_160, %swap3A_161] {strides = array<i32>} : memref<80x128xf32, #tpu.memory_space<vmem>>, vector<1x16xf32>,
          %swap3A_163 = vector.shape_cast %swap3A_162 : vector<1x16xf32> to vector<16xf32>
          %swap3A_164 = vector.shape_cast %add3A_159 : vector<16xf32> to vector<1x16xf32>
          tpu.vector_store %arg15[%swap3A_160, %swap3A_161], %swap3A_164 {strides = array<i32>} : memref<80x128xf32, #tpu.memory_space<vmem>>, vector<1x16xf32>,
          %get3A_165 = arith.index_cast %scan3A_137 : i32 to index
          %get3A_166 = arith.constant 32 : index
          %get3A_167 = tpu.vector_load %arg9[%get3A_165, %get3A_166] {strides = array<i32>} : memref<80x128xf32, #tpu.memory_space<vmem>>, vector<1x16xf32>,
          %get3A_168 = vector.shape_cast %get3A_167 : vector<1x16xf32> to vector<16xf32>
          %get3A_169 = arith.index_cast %scan3A_137 : i32 to index
          %get3A_170 = arith.constant 32 : index
          %get3A_171 = tpu.vector_load %arg12[%get3A_169, %get3A_170] {strides = array<i32>} : memref<80x128xf32, #tpu.memory_space<vmem>>, vector<1x16xf32>,
          %get3A_172 = vector.shape_cast %get3A_171 : vector<1x16xf32> to vector<16xf32>
          %add3A_173 = arith.addf %get3A_168, %get3A_172 : vector<16xf32>
          %swap3A_174 = arith.index_cast %scan3A_137 : i32 to index
          %swap3A_175 = arith.constant 32 : index
          %swap3A_176 = tpu.vector_load %arg15[%swap3A_174, %swap3A_175] {strides = array<i32>} : memref<80x128xf32, #tpu.memory_space<vmem>>, vector<1x16xf32>,
          %swap3A_177 = vector.shape_cast %swap3A_176 : vector<1x16xf32> to vector<16xf32>
          %swap3A_178 = vector.shape_cast %add3A_173 : vector<16xf32> to vector<1x16xf32>
          tpu.vector_store %arg15[%swap3A_174, %swap3A_175], %swap3A_178 {strides = array<i32>} : memref<80x128xf32, #tpu.memory_space<vmem>>, vector<1x16xf32>,
          %get3A_179 = arith.index_cast %scan3A_137 : i32 to index
          %get3A_180 = arith.constant 48 : index
          %get3A_181 = tpu.vector_load %arg9[%get3A_179, %get3A_180] {strides = array<i32>} : memref<80x128xf32, #tpu.memory_space<vmem>>, vector<1x16xf32>,
          %get3A_182 = vector.shape_cast %get3A_181 : vector<1x16xf32> to vector<16xf32>
          %get3A_183 = arith.index_cast %scan3A_137 : i32 to index
          %get3A_184 = arith.constant 48 : index
          %get3A_185 = tpu.vector_load %arg12[%get3A_183, %get3A_184] {strides = array<i32>} : memref<80x128xf32, #tpu.memory_space<vmem>>, vector<1x16xf32>,
          %get3A_186 = vector.shape_cast %get3A_185 : vector<1x16xf32> to vector<16xf32>
          %add3A_187 = arith.addf %get3A_182, %get3A_186 : vector<16xf32>
          %swap3A_188 = arith.index_cast %scan3A_137 : i32 to index
          %swap3A_189 = arith.constant 48 : index
          %swap3A_190 = tpu.vector_load %arg15[%swap3A_188, %swap3A_189] {strides = array<i32>} : memref<80x128xf32, #tpu.memory_space<vmem>>, vector<1x16xf32>,
          %swap3A_191 = vector.shape_cast %swap3A_190 : vector<1x16xf32> to vector<16xf32>
          %swap3A_192 = vector.shape_cast %add3A_187 : vector<16xf32> to vector<1x16xf32>
          tpu.vector_store %arg15[%swap3A_188, %swap3A_189], %swap3A_192 {strides = array<i32>} : memref<80x128xf32, #tpu.memory_space<vmem>>, vector<1x16xf32>,
          %get3A_193 = arith.index_cast %scan3A_137 : i32 to index
          %get3A_194 = arith.constant 64 : index
          %get3A_195 = tpu.vector_load %arg9[%get3A_193, %get3A_194] {strides = array<i32>} : memref<80x128xf32, #tpu.memory_space<vmem>>, vector<1x16xf32>,
          %get3A_196 = vector.shape_cast %get3A_195 : vector<1x16xf32> to vector<16xf32>
          %get3A_197 = arith.index_cast %scan3A_137 : i32 to index
          %get3A_198 = arith.constant 64 : index
          %get3A_199 = tpu.vector_load %arg12[%get3A_197, %get3A_198] {strides = array<i32>} : memref<80x128xf32, #tpu.memory_space<vmem>>, vector<1x16xf32>,
          %get3A_200 = vector.shape_cast %get3A_199 : vector<1x16xf32> to vector<16xf32>
          %add3A_201 = arith.addf %get3A_196, %get3A_200 : vector<16xf32>
          %swap3A_202 = arith.index_cast %scan3A_137 : i32 to index
          %swap3A_203 = arith.constant 64 : index
          %swap3A_204 = tpu.vector_load %arg15[%swap3A_202, %swap3A_203] {strides = array<i32>} : memref<80x128xf32, #tpu.memory_space<vmem>>, vector<1x16xf32>,
          %swap3A_205 = vector.shape_cast %swap3A_204 : vector<1x16xf32> to vector<16xf32>
          %swap3A_206 = vector.shape_cast %add3A_201 : vector<16xf32> to vector<1x16xf32>
          tpu.vector_store %arg15[%swap3A_202, %swap3A_203], %swap3A_206 {strides = array<i32>} : memref<80x128xf32, #tpu.memory_space<vmem>>, vector<1x16xf32>,
          %get3A_207 = arith.index_cast %scan3A_137 : i32 to index
          %get3A_208 = arith.constant 80 : index
          %get3A_209 = tpu.vector_load %arg9[%get3A_207, %get3A_208] {strides = array<i32>} : memref<80x128xf32, #tpu.memory_space<vmem>>, vector<1x16xf32>,
          %get3A_210 = vector.shape_cast %get3A_209 : vector<1x16xf32> to vector<16xf32>
          %get3A_211 = arith.index_cast %scan3A_137 : i32 to index
          %get3A_212 = arith.constant 80 : index
          %get3A_213 = tpu.vector_load %arg12[%get3A_211, %get3A_212] {strides = array<i32>} : memref<80x128xf32, #tpu.memory_space<vmem>>, vector<1x16xf32>,
          %get3A_214 = vector.shape_cast %get3A_213 : vector<1x16xf32> to vector<16xf32>
          %add3A_215 = arith.addf %get3A_210, %get3A_214 : vector<16xf32>
          %swap3A_216 = arith.index_cast %scan3A_137 : i32 to index
          %swap3A_217 = arith.constant 80 : index
          %swap3A_218 = tpu.vector_load %arg15[%swap3A_216, %swap3A_217] {strides = array<i32>} : memref<80x128xf32, #tpu.memory_space<vmem>>, vector<1x16xf32>,
          %swap3A_219 = vector.shape_cast %swap3A_218 : vector<1x16xf32> to vector<16xf32>
          %swap3A_220 = vector.shape_cast %add3A_215 : vector<16xf32> to vector<1x16xf32>
          tpu.vector_store %arg15[%swap3A_216, %swap3A_217], %swap3A_220 {strides = array<i32>} : memref<80x128xf32, #tpu.memory_space<vmem>>, vector<1x16xf32>,
          %get3A_221 = arith.index_cast %scan3A_137 : i32 to index
          %get3A_222 = arith.constant 96 : index
          %get3A_223 = tpu.vector_load %arg9[%get3A_221, %get3A_222] {strides = array<i32>} : memref<80x128xf32, #tpu.memory_space<vmem>>, vector<1x16xf32>,
          %get3A_224 = vector.shape_cast %get3A_223 : vector<1x16xf32> to vector<16xf32>
          %get3A_225 = arith.index_cast %scan3A_137 : i32 to index
          %get3A_226 = arith.constant 96 : index
          %get3A_227 = tpu.vector_load %arg12[%get3A_225, %get3A_226] {strides = array<i32>} : memref<80x128xf32, #tpu.memory_space<vmem>>, vector<1x16xf32>,
          %get3A_228 = vector.shape_cast %get3A_227 : vector<1x16xf32> to vector<16xf32>
          %add3A_229 = arith.addf %get3A_224, %get3A_228 : vector<16xf32>
          %swap3A_230 = arith.index_cast %scan3A_137 : i32 to index
          %swap3A_231 = arith.constant 96 : index
          %swap3A_232 = tpu.vector_load %arg15[%swap3A_230, %swap3A_231] {strides = array<i32>} : memref<80x128xf32, #tpu.memory_space<vmem>>, vector<1x16xf32>,
          %swap3A_233 = vector.shape_cast %swap3A_232 : vector<1x16xf32> to vector<16xf32>
          %swap3A_234 = vector.shape_cast %add3A_229 : vector<16xf32> to vector<1x16xf32>
          tpu.vector_store %arg15[%swap3A_230, %swap3A_231], %swap3A_234 {strides = array<i32>} : memref<80x128xf32, #tpu.memory_space<vmem>>, vector<1x16xf32>,
          %get3A_235 = arith.index_cast %scan3A_137 : i32 to index
          %get3A_236 = arith.constant 112 : index
          %get3A_237 = tpu.vector_load %arg9[%get3A_235, %get3A_236] {strides = array<i32>} : memref<80x128xf32, #tpu.memory_space<vmem>>, vector<1x16xf32>,
          %get3A_238 = vector.shape_cast %get3A_237 : vector<1x16xf32> to vector<16xf32>
          %get3A_239 = arith.index_cast %scan3A_137 : i32 to index
          %get3A_240 = arith.constant 112 : index
          %get3A_241 = tpu.vector_load %arg12[%get3A_239, %get3A_240] {strides = array<i32>} : memref<80x128xf32, #tpu.memory_space<vmem>>, vector<1x16xf32>,
          %get3A_242 = vector.shape_cast %get3A_241 : vector<1x16xf32> to vector<16xf32>
          %add3A_243 = arith.addf %get3A_238, %get3A_242 : vector<16xf32>
          %swap3A_244 = arith.index_cast %scan3A_137 : i32 to index
          %swap3A_245 = arith.constant 112 : index
          %swap3A_246 = tpu.vector_load %arg15[%swap3A_244, %swap3A_245] {strides = array<i32>} : memref<80x128xf32, #tpu.memory_space<vmem>>, vector<1x16xf32>,
          %swap3A_247 = vector.shape_cast %swap3A_246 : vector<1x16xf32> to vector<16xf32>
          %swap3A_248 = vector.shape_cast %add3A_243 : vector<16xf32> to vector<1x16xf32>
          tpu.vector_store %arg15[%swap3A_244, %swap3A_245], %swap3A_248 {strides = array<i32>} : memref<80x128xf32, #tpu.memory_space<vmem>>, vector<1x16xf32>,
          %scan3A_249 = arith.constant 0 : i32
          scf.yield %scan3A_249 : i32
        }
        %scan3A_129 = arith.constant 80 : i32
        %mul3A_130 = arith.constant 80 : i32
        %mul3A_131 = arith.muli %scan3A_43, %mul3A_130 : i32
        %add3A_132 = arith.addi %mul3A_6, %mul3A_131 : i32
        %dma_start3A_133 = arith.constant 0 : i32
        %dma_start3A_134 = tpu.memref_slice %arg5[%add3A_132, %dma_start3A_133] : memref<320000x128xf32, #tpu.memory_space<hbm>> -> memref<80x128xf32, #tpu.memory_space<hbm>>
        %dma_start3A_135 = arith.constant 0 : i32
        %dma_start3A_136 = tpu.memref_slice %arg5[%add3A_132, %dma_start3A_135] : memref<320000x128xf32, #tpu.memory_space<hbm>> -> memref<80x128xf32, #tpu.memory_space<hbm>>
        tpu.enqueue_dma source(%arg15 : memref<80x128xf32, #tpu.memory_space<vmem>>) target(%dma_start3A_136 : memref<80x128xf32, #tpu.memory_space<hbm>>) target_semaphore(%arg21 : memref<!tpu.dma_semaphore, #tpu.memory_space<semaphore_mem>>)
      } else {
      }
      %jit3A_78 = arith.constant 3 : i32
      %eq3A_79 = arith.constant 0 : i32
      %eq3A_80 = arith.cmpi eq, %jit3A_78, %eq3A_79 : i32
      %jit3A_81 = arith.constant 1 : i32
      %select_n3A_82 = arith.select %eq3A_80, %jit3A_81, %jit3A_78 : i32
      %rem3A_83 = arith.remsi %scan3A_43, %select_n3A_82 : i32
      %ne3A_84 = arith.constant 0 : i32
      %ne3A_85 = arith.cmpi ne, %rem3A_83, %ne3A_84 : i32
      %lt3A_86 = arith.constant 0 : i32
      %lt3A_87 = arith.cmpi slt, %rem3A_83, %lt3A_86 : i32
      %lt3A_88 = arith.constant 0 : i32
      %lt3A_89 = arith.cmpi slt, %select_n3A_82, %lt3A_88 : i32
      %ne3A_90 = arith.xori %lt3A_87, %lt3A_89 : i1
      %and3A_91 = arith.andi %ne3A_90, %ne3A_85 : i1
      %add3A_92 = arith.addi %rem3A_83, %select_n3A_82 : i32
      %select_n3A_93 = arith.select %and3A_91, %add3A_92, %rem3A_83 : i32
      %eq3A_94 = arith.constant 2 : i32
      %eq3A_95 = arith.cmpi eq, %select_n3A_93, %eq3A_94 : i32
      %convert_element_type3A_96 = arith.extui %eq3A_95 : i1 to i32
      %cond3A_97 = arith.constant 0 : i32
      %cond3A_98 = arith.cmpi ne, %convert_element_type3A_96, %cond3A_97 : i32
      scf.if %cond3A_98 {
        %add3A_100 = arith.constant 2 : i32
        %add3A_101 = arith.addi %scan3A_43, %add3A_100 : i32
        %lt3A_102 = arith.constant 125 : i32
        %lt3A_103 = arith.cmpi slt, %add3A_101, %lt3A_102 : i32
        %convert_element_type3A_104 = arith.extui %lt3A_103 : i1 to i32
        %cond3A_105 = arith.constant 0 : i32
        %cond3A_106 = arith.cmpi ne, %convert_element_type3A_104, %cond3A_105 : i32
        scf.if %cond3A_106 {
          %add3A_137 = arith.constant 2 : i32
          %add3A_138 = arith.addi %scan3A_43, %add3A_137 : i32
          %mul3A_139 = arith.constant 80 : i32
          %mul3A_140 = arith.muli %add3A_138, %mul3A_139 : i32
          %dma_start3A_141 = tpu.memref_slice %arg6[%mul3A_140] : memref<10000xi32, #tpu.memory_space<vmem>> -> memref<80xi32, #tpu.memory_space<vmem>>
          %dma_start3A_142 = arith.constant 0 : i32
          %dma_start3A_143 = arith.constant 0 : i32
          %dma_start3A_144 = tpu.memref_slice %arg2[%dma_start3A_142, %dma_start3A_143] : memref<10000x128xf32, #tpu.memory_space<hbm>> -> memref<10000x128xf32, #tpu.memory_space<hbm>>
          tpu.enqueue_indirect_dma source(%dma_start3A_144 : memref<10000x128xf32, #tpu.memory_space<hbm>>) target(%arg9 : memref<80x128xf32, #tpu.memory_space<vmem>>) offsets(%dma_start3A_141 : memref<80xi32, #tpu.memory_space<vmem>>) semaphore(%arg18 : memref<!tpu.dma_semaphore, #tpu.memory_space<semaphore_mem>>)
          %mul3A_145 = arith.constant 80 : i32
          %mul3A_146 = arith.muli %add3A_138, %mul3A_145 : i32
          %dma_start3A_147 = tpu.memref_slice %arg7[%mul3A_146] : memref<10000xi32, #tpu.memory_space<vmem>> -> memref<80xi32, #tpu.memory_space<vmem>>
          %dma_start3A_148 = arith.constant 0 : i32
          %dma_start3A_149 = arith.constant 0 : i32
          %dma_start3A_150 = tpu.memref_slice %arg2[%dma_start3A_148, %dma_start3A_149] : memref<10000x128xf32, #tpu.memory_space<hbm>> -> memref<10000x128xf32, #tpu.memory_space<hbm>>
          tpu.enqueue_indirect_dma source(%dma_start3A_150 : memref<10000x128xf32, #tpu.memory_space<hbm>>) target(%arg12 : memref<80x128xf32, #tpu.memory_space<vmem>>) offsets(%dma_start3A_147 : memref<80xi32, #tpu.memory_space<vmem>>) semaphore(%arg18 : memref<!tpu.dma_semaphore, #tpu.memory_space<semaphore_mem>>)
        } else {
        }
        %mul3A_107 = arith.constant 80 : i32
        %mul3A_108 = arith.muli %scan3A_43, %mul3A_107 : i32
        %dma_wait3A_109 = tpu.memref_slice %arg6[%mul3A_108] : memref<10000xi32, #tpu.memory_space<vmem>> -> memref<80xi32, #tpu.memory_space<vmem>>
        %dma_wait3A_110 = arith.constant 0 : i32
        %dma_wait3A_111 = arith.constant 0 : i32
        %dma_wait3A_112 = tpu.memref_slice %arg2[%dma_wait3A_110, %dma_wait3A_111] : memref<10000x128xf32, #tpu.memory_space<hbm>> -> memref<10000x128xf32, #tpu.memory_space<hbm>>
        tpu.wait_indirect_dma semaphore(%arg19 : memref<!tpu.dma_semaphore, #tpu.memory_space<semaphore_mem>>) src(%dma_wait3A_112 : memref<10000x128xf32, #tpu.memory_space<hbm>>) dst(%arg10 : memref<80x128xf32, #tpu.memory_space<vmem>>)
        %mul3A_113 = arith.constant 80 : i32
        %mul3A_114 = arith.muli %scan3A_43, %mul3A_113 : i32
        %dma_wait3A_115 = tpu.memref_slice %arg7[%mul3A_114] : memref<10000xi32, #tpu.memory_space<vmem>> -> memref<80xi32, #tpu.memory_space<vmem>>
        %dma_wait3A_116 = arith.constant 0 : i32
        %dma_wait3A_117 = arith.constant 0 : i32
        %dma_wait3A_118 = tpu.memref_slice %arg2[%dma_wait3A_116, %dma_wait3A_117] : memref<10000x128xf32, #tpu.memory_space<hbm>> -> memref<10000x128xf32, #tpu.memory_space<hbm>>
        tpu.wait_indirect_dma semaphore(%arg19 : memref<!tpu.dma_semaphore, #tpu.memory_space<semaphore_mem>>) src(%dma_wait3A_118 : memref<10000x128xf32, #tpu.memory_space<hbm>>) dst(%arg13 : memref<80x128xf32, #tpu.memory_space<vmem>>)
        %ge3A = arith.constant 3 : i32
        %ge3A_119 = arith.cmpi sge, %scan3A_43, %ge3A : i32
        %convert_element_type3A_120 = arith.extui %ge3A_119 : i1 to i32
        %cond3A_121 = arith.constant 0 : i32
        %cond3A_122 = arith.cmpi ne, %convert_element_type3A_120, %cond3A_121 : i32
        scf.if %cond3A_122 {
          %mul3A_137 = arith.constant 80 : i32
          %mul3A_138 = arith.muli %scan3A_43, %mul3A_137 : i32
          %add3A_139 = arith.addi %mul3A_6, %mul3A_138 : i32
          %dma_wait3A_140 = arith.constant 0 : i32
          %dma_wait3A_141 = tpu.memref_slice %arg5[%add3A_139, %dma_wait3A_140] : memref<320000x128xf32, #tpu.memory_space<hbm>> -> memref<80x128xf32, #tpu.memory_space<hbm>>
          %dma_wait3A_142 = arith.constant 0 : i32
          %dma_wait3A_143 = tpu.memref_slice %arg5[%add3A_139, %dma_wait3A_142] : memref<320000x128xf32, #tpu.memory_space<hbm>> -> memref<80x128xf32, #tpu.memory_space<hbm>>
          tpu.wait_dma2 semaphore(%arg22 : memref<!tpu.dma_semaphore, #tpu.memory_space<semaphore_mem>>) src(%arg16 : memref<80x128xf32, #tpu.memory_space<vmem>>) dst(%dma_wait3A_143 : memref<80x128xf32, #tpu.memory_space<hbm>>)
        } else {
        }
        %scan3A_123 = arith.constant 0 : i32
        %scan3A_124 = arith.constant 0 : i32
        %scan3A_125 = arith.constant 80 : i32
        %scan3A_126 = arith.addi %scan3A_124, %scan3A_125 : i32
        %scan3A_127 = arith.constant 1 : i32
        %scan3A_128 = scf.for %scan3A_137 = %scan3A_124 to %scan3A_126 step %scan3A_127 iter_args(%scan3A_138 = %scan3A_123) -> (i32)  : i32 {
          %get3A = arith.index_cast %scan3A_137 : i32 to index
          %get3A_139 = arith.constant 0 : index
          %get3A_140 = tpu.vector_load %arg10[%get3A, %get3A_139] {strides = array<i32>} : memref<80x128xf32, #tpu.memory_space<vmem>>, vector<1x16xf32>,
          %get3A_141 = vector.shape_cast %get3A_140 : vector<1x16xf32> to vector<16xf32>
          %get3A_142 = arith.index_cast %scan3A_137 : i32 to index
          %get3A_143 = arith.constant 0 : index
          %get3A_144 = tpu.vector_load %arg13[%get3A_142, %get3A_143] {strides = array<i32>} : memref<80x128xf32, #tpu.memory_space<vmem>>, vector<1x16xf32>,
          %get3A_145 = vector.shape_cast %get3A_144 : vector<1x16xf32> to vector<16xf32>
          %add3A_146 = arith.addf %get3A_141, %get3A_145 : vector<16xf32>
          %swap3A = arith.index_cast %scan3A_137 : i32 to index
          %swap3A_147 = arith.constant 0 : index
          %swap3A_148 = tpu.vector_load %arg16[%swap3A, %swap3A_147] {strides = array<i32>} : memref<80x128xf32, #tpu.memory_space<vmem>>, vector<1x16xf32>,
          %swap3A_149 = vector.shape_cast %swap3A_148 : vector<1x16xf32> to vector<16xf32>
          %swap3A_150 = vector.shape_cast %add3A_146 : vector<16xf32> to vector<1x16xf32>
          tpu.vector_store %arg16[%swap3A, %swap3A_147], %swap3A_150 {strides = array<i32>} : memref<80x128xf32, #tpu.memory_space<vmem>>, vector<1x16xf32>,
          %get3A_151 = arith.index_cast %scan3A_137 : i32 to index
          %get3A_152 = arith.constant 16 : index
          %get3A_153 = tpu.vector_load %arg10[%get3A_151, %get3A_152] {strides = array<i32>} : memref<80x128xf32, #tpu.memory_space<vmem>>, vector<1x16xf32>,
          %get3A_154 = vector.shape_cast %get3A_153 : vector<1x16xf32> to vector<16xf32>
          %get3A_155 = arith.index_cast %scan3A_137 : i32 to index
          %get3A_156 = arith.constant 16 : index
          %get3A_157 = tpu.vector_load %arg13[%get3A_155, %get3A_156] {strides = array<i32>} : memref<80x128xf32, #tpu.memory_space<vmem>>, vector<1x16xf32>,
          %get3A_158 = vector.shape_cast %get3A_157 : vector<1x16xf32> to vector<16xf32>
          %add3A_159 = arith.addf %get3A_154, %get3A_158 : vector<16xf32>
          %swap3A_160 = arith.index_cast %scan3A_137 : i32 to index
          %swap3A_161 = arith.constant 16 : index
          %swap3A_162 = tpu.vector_load %arg16[%swap3A_160, %swap3A_161] {strides = array<i32>} : memref<80x128xf32, #tpu.memory_space<vmem>>, vector<1x16xf32>,
          %swap3A_163 = vector.shape_cast %swap3A_162 : vector<1x16xf32> to vector<16xf32>
          %swap3A_164 = vector.shape_cast %add3A_159 : vector<16xf32> to vector<1x16xf32>
          tpu.vector_store %arg16[%swap3A_160, %swap3A_161], %swap3A_164 {strides = array<i32>} : memref<80x128xf32, #tpu.memory_space<vmem>>, vector<1x16xf32>,
          %get3A_165 = arith.index_cast %scan3A_137 : i32 to index
          %get3A_166 = arith.constant 32 : index
          %get3A_167 = tpu.vector_load %arg10[%get3A_165, %get3A_166] {strides = array<i32>} : memref<80x128xf32, #tpu.memory_space<vmem>>, vector<1x16xf32>,
          %get3A_168 = vector.shape_cast %get3A_167 : vector<1x16xf32> to vector<16xf32>
          %get3A_169 = arith.index_cast %scan3A_137 : i32 to index
          %get3A_170 = arith.constant 32 : index
          %get3A_171 = tpu.vector_load %arg13[%get3A_169, %get3A_170] {strides = array<i32>} : memref<80x128xf32, #tpu.memory_space<vmem>>, vector<1x16xf32>,
          %get3A_172 = vector.shape_cast %get3A_171 : vector<1x16xf32> to vector<16xf32>
          %add3A_173 = arith.addf %get3A_168, %get3A_172 : vector<16xf32>
          %swap3A_174 = arith.index_cast %scan3A_137 : i32 to index
          %swap3A_175 = arith.constant 32 : index
          %swap3A_176 = tpu.vector_load %arg16[%swap3A_174, %swap3A_175] {strides = array<i32>} : memref<80x128xf32, #tpu.memory_space<vmem>>, vector<1x16xf32>,
          %swap3A_177 = vector.shape_cast %swap3A_176 : vector<1x16xf32> to vector<16xf32>
          %swap3A_178 = vector.shape_cast %add3A_173 : vector<16xf32> to vector<1x16xf32>
          tpu.vector_store %arg16[%swap3A_174, %swap3A_175], %swap3A_178 {strides = array<i32>} : memref<80x128xf32, #tpu.memory_space<vmem>>, vector<1x16xf32>,
          %get3A_179 = arith.index_cast %scan3A_137 : i32 to index
          %get3A_180 = arith.constant 48 : index
          %get3A_181 = tpu.vector_load %arg10[%get3A_179, %get3A_180] {strides = array<i32>} : memref<80x128xf32, #tpu.memory_space<vmem>>, vector<1x16xf32>,
          %get3A_182 = vector.shape_cast %get3A_181 : vector<1x16xf32> to vector<16xf32>
          %get3A_183 = arith.index_cast %scan3A_137 : i32 to index
          %get3A_184 = arith.constant 48 : index
          %get3A_185 = tpu.vector_load %arg13[%get3A_183, %get3A_184] {strides = array<i32>} : memref<80x128xf32, #tpu.memory_space<vmem>>, vector<1x16xf32>,
          %get3A_186 = vector.shape_cast %get3A_185 : vector<1x16xf32> to vector<16xf32>
          %add3A_187 = arith.addf %get3A_182, %get3A_186 : vector<16xf32>
          %swap3A_188 = arith.index_cast %scan3A_137 : i32 to index
          %swap3A_189 = arith.constant 48 : index
          %swap3A_190 = tpu.vector_load %arg16[%swap3A_188, %swap3A_189] {strides = array<i32>} : memref<80x128xf32, #tpu.memory_space<vmem>>, vector<1x16xf32>,
          %swap3A_191 = vector.shape_cast %swap3A_190 : vector<1x16xf32> to vector<16xf32>
          %swap3A_192 = vector.shape_cast %add3A_187 : vector<16xf32> to vector<1x16xf32>
          tpu.vector_store %arg16[%swap3A_188, %swap3A_189], %swap3A_192 {strides = array<i32>} : memref<80x128xf32, #tpu.memory_space<vmem>>, vector<1x16xf32>,
          %get3A_193 = arith.index_cast %scan3A_137 : i32 to index
          %get3A_194 = arith.constant 64 : index
          %get3A_195 = tpu.vector_load %arg10[%get3A_193, %get3A_194] {strides = array<i32>} : memref<80x128xf32, #tpu.memory_space<vmem>>, vector<1x16xf32>,
          %get3A_196 = vector.shape_cast %get3A_195 : vector<1x16xf32> to vector<16xf32>
          %get3A_197 = arith.index_cast %scan3A_137 : i32 to index
          %get3A_198 = arith.constant 64 : index
          %get3A_199 = tpu.vector_load %arg13[%get3A_197, %get3A_198] {strides = array<i32>} : memref<80x128xf32, #tpu.memory_space<vmem>>, vector<1x16xf32>,
          %get3A_200 = vector.shape_cast %get3A_199 : vector<1x16xf32> to vector<16xf32>
          %add3A_201 = arith.addf %get3A_196, %get3A_200 : vector<16xf32>
          %swap3A_202 = arith.index_cast %scan3A_137 : i32 to index
          %swap3A_203 = arith.constant 64 : index
          %swap3A_204 = tpu.vector_load %arg16[%swap3A_202, %swap3A_203] {strides = array<i32>} : memref<80x128xf32, #tpu.memory_space<vmem>>, vector<1x16xf32>,
          %swap3A_205 = vector.shape_cast %swap3A_204 : vector<1x16xf32> to vector<16xf32>
          %swap3A_206 = vector.shape_cast %add3A_201 : vector<16xf32> to vector<1x16xf32>
          tpu.vector_store %arg16[%swap3A_202, %swap3A_203], %swap3A_206 {strides = array<i32>} : memref<80x128xf32, #tpu.memory_space<vmem>>, vector<1x16xf32>,
          %get3A_207 = arith.index_cast %scan3A_137 : i32 to index
          %get3A_208 = arith.constant 80 : index
          %get3A_209 = tpu.vector_load %arg10[%get3A_207, %get3A_208] {strides = array<i32>} : memref<80x128xf32, #tpu.memory_space<vmem>>, vector<1x16xf32>,
          %get3A_210 = vector.shape_cast %get3A_209 : vector<1x16xf32> to vector<16xf32>
          %get3A_211 = arith.index_cast %scan3A_137 : i32 to index
          %get3A_212 = arith.constant 80 : index
          %get3A_213 = tpu.vector_load %arg13[%get3A_211, %get3A_212] {strides = array<i32>} : memref<80x128xf32, #tpu.memory_space<vmem>>, vector<1x16xf32>,
          %get3A_214 = vector.shape_cast %get3A_213 : vector<1x16xf32> to vector<16xf32>
          %add3A_215 = arith.addf %get3A_210, %get3A_214 : vector<16xf32>
          %swap3A_216 = arith.index_cast %scan3A_137 : i32 to index
          %swap3A_217 = arith.constant 80 : index
          %swap3A_218 = tpu.vector_load %arg16[%swap3A_216, %swap3A_217] {strides = array<i32>} : memref<80x128xf32, #tpu.memory_space<vmem>>, vector<1x16xf32>,
          %swap3A_219 = vector.shape_cast %swap3A_218 : vector<1x16xf32> to vector<16xf32>
          %swap3A_220 = vector.shape_cast %add3A_215 : vector<16xf32> to vector<1x16xf32>
          tpu.vector_store %arg16[%swap3A_216, %swap3A_217], %swap3A_220 {strides = array<i32>} : memref<80x128xf32, #tpu.memory_space<vmem>>, vector<1x16xf32>,
          %get3A_221 = arith.index_cast %scan3A_137 : i32 to index
          %get3A_222 = arith.constant 96 : index
          %get3A_223 = tpu.vector_load %arg10[%get3A_221, %get3A_222] {strides = array<i32>} : memref<80x128xf32, #tpu.memory_space<vmem>>, vector<1x16xf32>,
          %get3A_224 = vector.shape_cast %get3A_223 : vector<1x16xf32> to vector<16xf32>
          %get3A_225 = arith.index_cast %scan3A_137 : i32 to index
          %get3A_226 = arith.constant 96 : index
          %get3A_227 = tpu.vector_load %arg13[%get3A_225, %get3A_226] {strides = array<i32>} : memref<80x128xf32, #tpu.memory_space<vmem>>, vector<1x16xf32>,
          %get3A_228 = vector.shape_cast %get3A_227 : vector<1x16xf32> to vector<16xf32>
          %add3A_229 = arith.addf %get3A_224, %get3A_228 : vector<16xf32>
          %swap3A_230 = arith.index_cast %scan3A_137 : i32 to index
          %swap3A_231 = arith.constant 96 : index
          %swap3A_232 = tpu.vector_load %arg16[%swap3A_230, %swap3A_231] {strides = array<i32>} : memref<80x128xf32, #tpu.memory_space<vmem>>, vector<1x16xf32>,
          %swap3A_233 = vector.shape_cast %swap3A_232 : vector<1x16xf32> to vector<16xf32>
          %swap3A_234 = vector.shape_cast %add3A_229 : vector<16xf32> to vector<1x16xf32>
          tpu.vector_store %arg16[%swap3A_230, %swap3A_231], %swap3A_234 {strides = array<i32>} : memref<80x128xf32, #tpu.memory_space<vmem>>, vector<1x16xf32>,
          %get3A_235 = arith.index_cast %scan3A_137 : i32 to index
          %get3A_236 = arith.constant 112 : index
          %get3A_237 = tpu.vector_load %arg10[%get3A_235, %get3A_236] {strides = array<i32>} : memref<80x128xf32, #tpu.memory_space<vmem>>, vector<1x16xf32>,
          %get3A_238 = vector.shape_cast %get3A_237 : vector<1x16xf32> to vector<16xf32>
          %get3A_239 = arith.index_cast %scan3A_137 : i32 to index
          %get3A_240 = arith.constant 112 : index
          %get3A_241 = tpu.vector_load %arg13[%get3A_239, %get3A_240] {strides = array<i32>} : memref<80x128xf32, #tpu.memory_space<vmem>>, vector<1x16xf32>,
          %get3A_242 = vector.shape_cast %get3A_241 : vector<1x16xf32> to vector<16xf32>
          %add3A_243 = arith.addf %get3A_238, %get3A_242 : vector<16xf32>
          %swap3A_244 = arith.index_cast %scan3A_137 : i32 to index
          %swap3A_245 = arith.constant 112 : index
          %swap3A_246 = tpu.vector_load %arg16[%swap3A_244, %swap3A_245] {strides = array<i32>} : memref<80x128xf32, #tpu.memory_space<vmem>>, vector<1x16xf32>,
          %swap3A_247 = vector.shape_cast %swap3A_246 : vector<1x16xf32> to vector<16xf32>
          %swap3A_248 = vector.shape_cast %add3A_243 : vector<16xf32> to vector<1x16xf32>
          tpu.vector_store %arg16[%swap3A_244, %swap3A_245], %swap3A_248 {strides = array<i32>} : memref<80x128xf32, #tpu.memory_space<vmem>>, vector<1x16xf32>,
          %scan3A_249 = arith.constant 0 : i32
          scf.yield %scan3A_249 : i32
        }
        %scan3A_129 = arith.constant 80 : i32
        %mul3A_130 = arith.constant 80 : i32
        %mul3A_131 = arith.muli %scan3A_43, %mul3A_130 : i32
        %add3A_132 = arith.addi %mul3A_6, %mul3A_131 : i32
        %dma_start3A_133 = arith.constant 0 : i32
        %dma_start3A_134 = tpu.memref_slice %arg5[%add3A_132, %dma_start3A_133] : memref<320000x128xf32, #tpu.memory_space<hbm>> -> memref<80x128xf32, #tpu.memory_space<hbm>>
        %dma_start3A_135 = arith.constant 0 : i32
        %dma_start3A_136 = tpu.memref_slice %arg5[%add3A_132, %dma_start3A_135] : memref<320000x128xf32, #tpu.memory_space<hbm>> -> memref<80x128xf32, #tpu.memory_space<hbm>>
        tpu.enqueue_dma source(%arg16 : memref<80x128xf32, #tpu.memory_space<vmem>>) target(%dma_start3A_136 : memref<80x128xf32, #tpu.memory_space<hbm>>) target_semaphore(%arg22 : memref<!tpu.dma_semaphore, #tpu.memory_space<semaphore_mem>>)
      } else {
      }
      %scan3A_99 = arith.constant 0 : i32
      scf.yield %scan3A_99 : i32
    }
    %scan3A_31 = arith.constant 125 : i32
    %dma_wait3A = arith.constant 0 : i32
    %dma_wait3A_32 = tpu.memref_slice %arg5[%mul3A_6, %dma_wait3A] : memref<320000x128xf32, #tpu.memory_space<hbm>> -> memref<80x128xf32, #tpu.memory_space<hbm>>
    %dma_wait3A_33 = arith.constant 0 : i32
    %dma_wait3A_34 = tpu.memref_slice %arg5[%mul3A_6, %dma_wait3A_33] : memref<320000x128xf32, #tpu.memory_space<hbm>> -> memref<80x128xf32, #tpu.memory_space<hbm>>
    tpu.wait_dma2 semaphore(%arg20 : memref<!tpu.dma_semaphore, #tpu.memory_space<semaphore_mem>>) src(%arg14 : memref<80x128xf32, #tpu.memory_space<vmem>>) dst(%dma_wait3A_34 : memref<80x128xf32, #tpu.memory_space<hbm>>)
    %dma_wait3A_35 = arith.constant 0 : i32
    %dma_wait3A_36 = tpu.memref_slice %arg5[%mul3A_6, %dma_wait3A_35] : memref<320000x128xf32, #tpu.memory_space<hbm>> -> memref<80x128xf32, #tpu.memory_space<hbm>>
    %dma_wait3A_37 = arith.constant 0 : i32
    %dma_wait3A_38 = tpu.memref_slice %arg5[%mul3A_6, %dma_wait3A_37] : memref<320000x128xf32, #tpu.memory_space<hbm>> -> memref<80x128xf32, #tpu.memory_space<hbm>>
    tpu.wait_dma2 semaphore(%arg21 : memref<!tpu.dma_semaphore, #tpu.memory_space<semaphore_mem>>) src(%arg15 : memref<80x128xf32, #tpu.memory_space<vmem>>) dst(%dma_wait3A_38 : memref<80x128xf32, #tpu.memory_space<hbm>>)
    %dma_wait3A_39 = arith.constant 0 : i32
    %dma_wait3A_40 = tpu.memref_slice %arg5[%mul3A_6, %dma_wait3A_39] : memref<320000x128xf32, #tpu.memory_space<hbm>> -> memref<80x128xf32, #tpu.memory_space<hbm>>
    %dma_wait3A_41 = arith.constant 0 : i32
    %dma_wait3A_42 = tpu.memref_slice %arg5[%mul3A_6, %dma_wait3A_41] : memref<320000x128xf32, #tpu.memory_space<hbm>> -> memref<80x128xf32, #tpu.memory_space<hbm>>
    tpu.wait_dma2 semaphore(%arg22 : memref<!tpu.dma_semaphore, #tpu.memory_space<semaphore_mem>>) src(%arg16 : memref<80x128xf32, #tpu.memory_space<vmem>>) dst(%dma_wait3A_42 : memref<80x128xf32, #tpu.memory_space<hbm>>)
    return
  }
}

#map = affine_map<(d0, d1) -> (0, 0)>
#map1 = affine_map<(d0, d1) -> (0)>
#map2 = affine_map<(d0, d1) -> (0, 0, 0)>
module attributes {stable_mosaic.version = 14 : i64} {
  func.func @_sc_agg_body(%arg0: i32, %arg1: i32, %arg2: memref<10000x128xf32, #tpu.memory_space<hbm>>, %arg3: memref<320000xi32, #tpu.memory_space<hbm>>, %arg4: memref<32x125x80xi32, #tpu.memory_space<hbm>>, %arg5: memref<10240x128xf32, #tpu.memory_space<hbm>>, %arg6: memref<80x128xf32, #tpu.memory_space<hbm>>, %arg7: memref<32x640x128xf32, #tpu.memory_space<hbm>>, %arg8: memref<32x640x128xf32, #tpu.memory_space<hbm>>, %arg9: memref<10000xi32, #tpu.memory_space<vmem>>, %arg10: memref<125x80xi32, #tpu.memory_space<vmem>>, %arg11: memref<80x128xf32, #tpu.memory_space<vmem>>, %arg12: memref<80x128xf32, #tpu.memory_space<vmem>>, %arg13: memref<10240x128xf32, #tpu.memory_space<vmem_shared>>, %arg14: memref<!tpu.dma_semaphore, #tpu.memory_space<semaphore_mem>>, %arg15: memref<!tpu.dma_semaphore, #tpu.memory_space<semaphore_mem>>, %arg16: memref<!tpu.dma_semaphore, #tpu.memory_space<semaphore_mem>>, %arg17: memref<!tpu.dma_semaphore, #tpu.memory_space<semaphore_mem>>) attributes {dimension_semantics = [#tpu.dimension_semantics<core_parallel>, #tpu.dimension_semantics<subcore_parallel>], iteration_bounds = array<i64: 2, 16>, scalar_prefetch = 0 : i64, scratch_operands = 9 : i64, tpu.core_type = #tpu.core_type<sc_vector_subcore>, window_params = [{transform_indices = #map}, {transform_indices = #map1}, {transform_indices = #map2}, {transform_indices = #map}, {transform_indices = #map}, {transform_indices = #map2}, {transform_indices = #map2}]} {
    %mul3A = arith.constant 16 : i32
    %mul3A_0 = arith.muli %arg0, %mul3A : i32
    %add3A = arith.addi %mul3A_0, %arg1 : i32
    %mul3A_1 = arith.constant 640 : i32
    %mul3A_2 = arith.muli %arg1, %mul3A_1 : i32
    %mul3A_3 = arith.constant 640 : i32
    %mul3A_4 = arith.muli %arg1, %mul3A_3 : i32
    "tpu.region"() ({
      %run_scoped3A = tpu.sem_alloc : memref<!tpu.dma_semaphore, #tpu.memory_space<semaphore_mem>>
      %dma_start3A_77 = arith.constant 0 : i32
      %dma_start3A_78 = tpu.memref_slice %arg13[%mul3A_4, %dma_start3A_77] : memref<10240x128xf32, #tpu.memory_space<vmem_shared>> -> memref<640x128xf32, #tpu.memory_space<vmem_shared>>
      %dma_start3A_79 = arith.constant 0 : i32
      %dma_start3A_80 = tpu.memref_slice %arg5[%mul3A_2, %dma_start3A_79] : memref<10240x128xf32, #tpu.memory_space<hbm>> -> memref<640x128xf32, #tpu.memory_space<hbm>>
      tpu.enqueue_dma source(%dma_start3A_80 : memref<640x128xf32, #tpu.memory_space<hbm>>) target(%dma_start3A_78 : memref<640x128xf32, #tpu.memory_space<vmem_shared>>) target_semaphore(%run_scoped3A : memref<!tpu.dma_semaphore, #tpu.memory_space<semaphore_mem>>)
      %dma_wait3A_81 = arith.constant 0 : i32
      %dma_wait3A_82 = tpu.memref_slice %arg13[%mul3A_4, %dma_wait3A_81] : memref<10240x128xf32, #tpu.memory_space<vmem_shared>> -> memref<640x128xf32, #tpu.memory_space<vmem_shared>>
      %dma_wait3A_83 = arith.constant 0 : i32
      %dma_wait3A_84 = tpu.memref_slice %arg5[%mul3A_2, %dma_wait3A_83] : memref<10240x128xf32, #tpu.memory_space<hbm>> -> memref<640x128xf32, #tpu.memory_space<hbm>>
      tpu.wait_dma2 semaphore(%run_scoped3A : memref<!tpu.dma_semaphore, #tpu.memory_space<semaphore_mem>>) src(%dma_wait3A_84 : memref<640x128xf32, #tpu.memory_space<hbm>>) dst(%dma_wait3A_82 : memref<640x128xf32, #tpu.memory_space<vmem_shared>>)
      tpu.yield
    }) : () -> ()
    %barrier3A = arith.constant 0 : index
    tpu.barrier barrier_id(%barrier3A)
    %mul3A_5 = arith.constant 10000 : i32
    %mul3A_6 = arith.muli %add3A, %mul3A_5 : i32
    "tpu.region"() ({
      %run_scoped3A = tpu.sem_alloc : memref<!tpu.dma_semaphore, #tpu.memory_space<semaphore_mem>>
      %dma_start3A_77 = tpu.memref_slice %arg3[%mul3A_6] : memref<320000xi32, #tpu.memory_space<hbm>> -> memref<10000xi32, #tpu.memory_space<hbm>>
      %dma_start3A_78 = tpu.memref_slice %arg3[%mul3A_6] : memref<320000xi32, #tpu.memory_space<hbm>> -> memref<10000xi32, #tpu.memory_space<hbm>>
      tpu.enqueue_dma source(%dma_start3A_78 : memref<10000xi32, #tpu.memory_space<hbm>>) target(%arg9 : memref<10000xi32, #tpu.memory_space<vmem>>) target_semaphore(%run_scoped3A : memref<!tpu.dma_semaphore, #tpu.memory_space<semaphore_mem>>)
      %dma_wait3A_79 = tpu.memref_slice %arg3[%mul3A_6] : memref<320000xi32, #tpu.memory_space<hbm>> -> memref<10000xi32, #tpu.memory_space<hbm>>
      %dma_wait3A_80 = tpu.memref_slice %arg3[%mul3A_6] : memref<320000xi32, #tpu.memory_space<hbm>> -> memref<10000xi32, #tpu.memory_space<hbm>>
      tpu.wait_dma2 semaphore(%run_scoped3A : memref<!tpu.dma_semaphore, #tpu.memory_space<semaphore_mem>>) src(%dma_wait3A_80 : memref<10000xi32, #tpu.memory_space<hbm>>) dst(%arg9 : memref<10000xi32, #tpu.memory_space<vmem>>)
      tpu.yield
    }) : () -> ()
    "tpu.region"() ({
      %run_scoped3A = tpu.sem_alloc : memref<!tpu.dma_semaphore, #tpu.memory_space<semaphore_mem>>
      %dma_start3A_77 = arith.constant 0 : i32
      %dma_start3A_78 = arith.constant 0 : i32
      %dma_start3A_79 = tpu.memref_slice %arg4[%add3A, %dma_start3A_77, %dma_start3A_78] : memref<32x125x80xi32, #tpu.memory_space<hbm>> -> memref<1x125x80xi32, #tpu.memory_space<hbm>>
      %dma_start3A_80 = tpu.memref_squeeze %dma_start3A_79 : memref<1x125x80xi32, #tpu.memory_space<hbm>> -> memref<125x80xi32, #tpu.memory_space<hbm>>
      %dma_start3A_81 = arith.constant 0 : i32
      %dma_start3A_82 = arith.constant 0 : i32
      %dma_start3A_83 = tpu.memref_slice %arg4[%add3A, %dma_start3A_81, %dma_start3A_82] : memref<32x125x80xi32, #tpu.memory_space<hbm>> -> memref<1x125x80xi32, #tpu.memory_space<hbm>>
      %dma_start3A_84 = tpu.memref_squeeze %dma_start3A_83 : memref<1x125x80xi32, #tpu.memory_space<hbm>> -> memref<125x80xi32, #tpu.memory_space<hbm>>
      tpu.enqueue_dma source(%dma_start3A_84 : memref<125x80xi32, #tpu.memory_space<hbm>>) target(%arg10 : memref<125x80xi32, #tpu.memory_space<vmem>>) target_semaphore(%run_scoped3A : memref<!tpu.dma_semaphore, #tpu.memory_space<semaphore_mem>>)
      %dma_wait3A_85 = arith.constant 0 : i32
      %dma_wait3A_86 = arith.constant 0 : i32
      %dma_wait3A_87 = tpu.memref_slice %arg4[%add3A, %dma_wait3A_85, %dma_wait3A_86] : memref<32x125x80xi32, #tpu.memory_space<hbm>> -> memref<1x125x80xi32, #tpu.memory_space<hbm>>
      %dma_wait3A_88 = tpu.memref_squeeze %dma_wait3A_87 : memref<1x125x80xi32, #tpu.memory_space<hbm>> -> memref<125x80xi32, #tpu.memory_space<hbm>>
      %dma_wait3A_89 = arith.constant 0 : i32
      %dma_wait3A_90 = arith.constant 0 : i32
      %dma_wait3A_91 = tpu.memref_slice %arg4[%add3A, %dma_wait3A_89, %dma_wait3A_90] : memref<32x125x80xi32, #tpu.memory_space<hbm>> -> memref<1x125x80xi32, #tpu.memory_space<hbm>>
      %dma_wait3A_92 = tpu.memref_squeeze %dma_wait3A_91 : memref<1x125x80xi32, #tpu.memory_space<hbm>> -> memref<125x80xi32, #tpu.memory_space<hbm>>
      tpu.wait_dma2 semaphore(%run_scoped3A : memref<!tpu.dma_semaphore, #tpu.memory_space<semaphore_mem>>) src(%dma_wait3A_92 : memref<125x80xi32, #tpu.memory_space<hbm>>) dst(%arg10 : memref<125x80xi32, #tpu.memory_space<vmem>>)
      tpu.yield
    }) : () -> ()
    %dma_start3A = arith.constant 0 : i32
    %dma_start3A_7 = tpu.memref_slice %arg9[%dma_start3A] : memref<10000xi32, #tpu.memory_space<vmem>> -> memref<80xi32, #tpu.memory_space<vmem>>
    %dma_start3A_8 = arith.constant 0 : i32
    %dma_start3A_9 = arith.constant 0 : i32
    %dma_start3A_10 = tpu.memref_slice %arg2[%dma_start3A_8, %dma_start3A_9] : memref<10000x128xf32, #tpu.memory_space<hbm>> -> memref<10000x128xf32, #tpu.memory_space<hbm>>
    tpu.enqueue_indirect_dma source(%dma_start3A_10 : memref<10000x128xf32, #tpu.memory_space<hbm>>) target(%arg11 : memref<80x128xf32, #tpu.memory_space<vmem>>) offsets(%dma_start3A_7 : memref<80xi32, #tpu.memory_space<vmem>>) semaphore(%arg14 : memref<!tpu.dma_semaphore, #tpu.memory_space<semaphore_mem>>)
    %scan3A = arith.constant 0 : i32
    %scan3A_11 = arith.constant 0 : i32
    %scan3A_12 = arith.constant 125 : i32
    %scan3A_13 = arith.addi %scan3A_11, %scan3A_12 : i32
    %scan3A_14 = arith.constant 1 : i32
    %scan3A_15 = scf.for %scan3A_77 = %scan3A_11 to %scan3A_13 step %scan3A_14 iter_args(%scan3A_78 = %scan3A) -> (i32)  : i32 {
      %jit3A = arith.constant 2 : i32
      %eq3A = arith.constant 0 : i32
      %eq3A_79 = arith.cmpi eq, %jit3A, %eq3A : i32
      %jit3A_80 = arith.constant 1 : i32
      %select_n3A = arith.select %eq3A_79, %jit3A_80, %jit3A : i32
      %rem3A = arith.remsi %scan3A_77, %select_n3A : i32
      %ne3A = arith.constant 0 : i32
      %ne3A_81 = arith.cmpi ne, %rem3A, %ne3A : i32
      %lt3A = arith.constant 0 : i32
      %lt3A_82 = arith.cmpi slt, %rem3A, %lt3A : i32
      %lt3A_83 = arith.constant 0 : i32
      %lt3A_84 = arith.cmpi slt, %select_n3A, %lt3A_83 : i32
      %ne3A_85 = arith.xori %lt3A_82, %lt3A_84 : i1
      %and3A = arith.andi %ne3A_85, %ne3A_81 : i1
      %add3A_86 = arith.addi %rem3A, %select_n3A : i32
      %select_n3A_87 = arith.select %and3A, %add3A_86, %rem3A : i32
      %eq3A_88 = arith.constant 0 : i32
      %eq3A_89 = arith.cmpi eq, %select_n3A_87, %eq3A_88 : i32
      %convert_element_type3A = arith.extui %eq3A_89 : i1 to i32
      %cond3A = arith.constant 0 : i32
      %cond3A_90 = arith.cmpi ne, %convert_element_type3A, %cond3A : i32
      scf.if %cond3A_90 {
        %add3A_113 = arith.constant 1 : i32
        %add3A_114 = arith.addi %scan3A_77, %add3A_113 : i32
        %lt3A_115 = arith.constant 125 : i32
        %lt3A_116 = arith.cmpi slt, %add3A_114, %lt3A_115 : i32
        %ge3A = arith.constant 1 : i32
        %ge3A_117 = arith.cmpi sge, %scan3A_77, %ge3A : i32
        %and3A_118 = arith.andi %lt3A_116, %ge3A_117 : i1
        %convert_element_type3A_119 = arith.extui %and3A_118 : i1 to i32
        %cond3A_120 = arith.constant 0 : i32
        %cond3A_121 = arith.cmpi ne, %convert_element_type3A_119, %cond3A_120 : i32
        scf.if %cond3A_121 {
          %dma_wait3A_141 = arith.constant 0 : i32
          %dma_wait3A_142 = tpu.memref_slice %arg10[%scan3A_77, %dma_wait3A_141] : memref<125x80xi32, #tpu.memory_space<vmem>> -> memref<1x80xi32, #tpu.memory_space<vmem>>
          %dma_wait3A_143 = tpu.memref_squeeze %dma_wait3A_142 : memref<1x80xi32, #tpu.memory_space<vmem>> -> memref<80xi32, #tpu.memory_space<vmem>>
          %dma_wait3A_144 = arith.constant 0 : i32
          %dma_wait3A_145 = arith.constant 0 : i32
          %dma_wait3A_146 = tpu.memref_slice %arg13[%dma_wait3A_144, %dma_wait3A_145] : memref<10240x128xf32, #tpu.memory_space<vmem_shared>> -> memref<10240x128xf32, #tpu.memory_space<vmem_shared>>
          tpu.wait_indirect_dma semaphore(%arg17 : memref<!tpu.dma_semaphore, #tpu.memory_space<semaphore_mem>>) src(%arg12 : memref<80x128xf32, #tpu.memory_space<vmem>>) dst(%dma_wait3A_146 : memref<10240x128xf32, #tpu.memory_space<vmem_shared>>)
        } else {
        }
        %add3A_122 = arith.constant 1 : i32
        %add3A_123 = arith.addi %scan3A_77, %add3A_122 : i32
        %lt3A_124 = arith.constant 125 : i32
        %lt3A_125 = arith.cmpi slt, %add3A_123, %lt3A_124 : i32
        %convert_element_type3A_126 = arith.extui %lt3A_125 : i1 to i32
        %cond3A_127 = arith.constant 0 : i32
        %cond3A_128 = arith.cmpi ne, %convert_element_type3A_126, %cond3A_127 : i32
        scf.if %cond3A_128 {
          %add3A_141 = arith.constant 1 : i32
          %add3A_142 = arith.addi %scan3A_77, %add3A_141 : i32
          %mul3A_143 = arith.constant 80 : i32
          %mul3A_144 = arith.muli %add3A_142, %mul3A_143 : i32
          %dma_start3A_145 = tpu.memref_slice %arg9[%mul3A_144] : memref<10000xi32, #tpu.memory_space<vmem>> -> memref<80xi32, #tpu.memory_space<vmem>>
          %dma_start3A_146 = arith.constant 0 : i32
          %dma_start3A_147 = arith.constant 0 : i32
          %dma_start3A_148 = tpu.memref_slice %arg2[%dma_start3A_146, %dma_start3A_147] : memref<10000x128xf32, #tpu.memory_space<hbm>> -> memref<10000x128xf32, #tpu.memory_space<hbm>>
          tpu.enqueue_indirect_dma source(%dma_start3A_148 : memref<10000x128xf32, #tpu.memory_space<hbm>>) target(%arg12 : memref<80x128xf32, #tpu.memory_space<vmem>>) offsets(%dma_start3A_145 : memref<80xi32, #tpu.memory_space<vmem>>) semaphore(%arg15 : memref<!tpu.dma_semaphore, #tpu.memory_space<semaphore_mem>>)
        } else {
        }
        %mul3A_129 = arith.constant 80 : i32
        %mul3A_130 = arith.muli %scan3A_77, %mul3A_129 : i32
        %dma_wait3A_131 = tpu.memref_slice %arg9[%mul3A_130] : memref<10000xi32, #tpu.memory_space<vmem>> -> memref<80xi32, #tpu.memory_space<vmem>>
        %dma_wait3A_132 = arith.constant 0 : i32
        %dma_wait3A_133 = arith.constant 0 : i32
        %dma_wait3A_134 = tpu.memref_slice %arg2[%dma_wait3A_132, %dma_wait3A_133] : memref<10000x128xf32, #tpu.memory_space<hbm>> -> memref<10000x128xf32, #tpu.memory_space<hbm>>
        tpu.wait_indirect_dma semaphore(%arg14 : memref<!tpu.dma_semaphore, #tpu.memory_space<semaphore_mem>>) src(%dma_wait3A_134 : memref<10000x128xf32, #tpu.memory_space<hbm>>) dst(%arg11 : memref<80x128xf32, #tpu.memory_space<vmem>>)
        %dma_start3A_135 = arith.constant 0 : i32
        %dma_start3A_136 = tpu.memref_slice %arg10[%scan3A_77, %dma_start3A_135] : memref<125x80xi32, #tpu.memory_space<vmem>> -> memref<1x80xi32, #tpu.memory_space<vmem>>
        %dma_start3A_137 = tpu.memref_squeeze %dma_start3A_136 : memref<1x80xi32, #tpu.memory_space<vmem>> -> memref<80xi32, #tpu.memory_space<vmem>>
        %dma_start3A_138 = arith.constant 0 : i32
        %dma_start3A_139 = arith.constant 0 : i32
        %dma_start3A_140 = tpu.memref_slice %arg13[%dma_start3A_138, %dma_start3A_139] : memref<10240x128xf32, #tpu.memory_space<vmem_shared>> -> memref<10240x128xf32, #tpu.memory_space<vmem_shared>>
        tpu.enqueue_indirect_dma source(%arg11 : memref<80x128xf32, #tpu.memory_space<vmem>>) target(%dma_start3A_140 : memref<10240x128xf32, #tpu.memory_space<vmem_shared>>) offsets(%dma_start3A_137 : memref<80xi32, #tpu.memory_space<vmem>>) semaphore(%arg16 : memref<!tpu.dma_semaphore, #tpu.memory_space<semaphore_mem>>) {add = true}
      } else {
      }
      %jit3A_91 = arith.constant 2 : i32
      %eq3A_92 = arith.constant 0 : i32
      %eq3A_93 = arith.cmpi eq, %jit3A_91, %eq3A_92 : i32
      %jit3A_94 = arith.constant 1 : i32
      %select_n3A_95 = arith.select %eq3A_93, %jit3A_94, %jit3A_91 : i32
      %rem3A_96 = arith.remsi %scan3A_77, %select_n3A_95 : i32
      %ne3A_97 = arith.constant 0 : i32
      %ne3A_98 = arith.cmpi ne, %rem3A_96, %ne3A_97 : i32
      %lt3A_99 = arith.constant 0 : i32
      %lt3A_100 = arith.cmpi slt, %rem3A_96, %lt3A_99 : i32
      %lt3A_101 = arith.constant 0 : i32
      %lt3A_102 = arith.cmpi slt, %select_n3A_95, %lt3A_101 : i32
      %ne3A_103 = arith.xori %lt3A_100, %lt3A_102 : i1
      %and3A_104 = arith.andi %ne3A_103, %ne3A_98 : i1
      %add3A_105 = arith.addi %rem3A_96, %select_n3A_95 : i32
      %select_n3A_106 = arith.select %and3A_104, %add3A_105, %rem3A_96 : i32
      %eq3A_107 = arith.constant 1 : i32
      %eq3A_108 = arith.cmpi eq, %select_n3A_106, %eq3A_107 : i32
      %convert_element_type3A_109 = arith.extui %eq3A_108 : i1 to i32
      %cond3A_110 = arith.constant 0 : i32
      %cond3A_111 = arith.cmpi ne, %convert_element_type3A_109, %cond3A_110 : i32
      scf.if %cond3A_111 {
        %add3A_113 = arith.constant 1 : i32
        %add3A_114 = arith.addi %scan3A_77, %add3A_113 : i32
        %lt3A_115 = arith.constant 125 : i32
        %lt3A_116 = arith.cmpi slt, %add3A_114, %lt3A_115 : i32
        %ge3A = arith.constant 1 : i32
        %ge3A_117 = arith.cmpi sge, %scan3A_77, %ge3A : i32
        %and3A_118 = arith.andi %lt3A_116, %ge3A_117 : i1
        %convert_element_type3A_119 = arith.extui %and3A_118 : i1 to i32
        %cond3A_120 = arith.constant 0 : i32
        %cond3A_121 = arith.cmpi ne, %convert_element_type3A_119, %cond3A_120 : i32
        scf.if %cond3A_121 {
          %dma_wait3A_141 = arith.constant 0 : i32
          %dma_wait3A_142 = tpu.memref_slice %arg10[%scan3A_77, %dma_wait3A_141] : memref<125x80xi32, #tpu.memory_space<vmem>> -> memref<1x80xi32, #tpu.memory_space<vmem>>
          %dma_wait3A_143 = tpu.memref_squeeze %dma_wait3A_142 : memref<1x80xi32, #tpu.memory_space<vmem>> -> memref<80xi32, #tpu.memory_space<vmem>>
          %dma_wait3A_144 = arith.constant 0 : i32
          %dma_wait3A_145 = arith.constant 0 : i32
          %dma_wait3A_146 = tpu.memref_slice %arg13[%dma_wait3A_144, %dma_wait3A_145] : memref<10240x128xf32, #tpu.memory_space<vmem_shared>> -> memref<10240x128xf32, #tpu.memory_space<vmem_shared>>
          tpu.wait_indirect_dma semaphore(%arg16 : memref<!tpu.dma_semaphore, #tpu.memory_space<semaphore_mem>>) src(%arg11 : memref<80x128xf32, #tpu.memory_space<vmem>>) dst(%dma_wait3A_146 : memref<10240x128xf32, #tpu.memory_space<vmem_shared>>)
        } else {
        }
        %add3A_122 = arith.constant 1 : i32
        %add3A_123 = arith.addi %scan3A_77, %add3A_122 : i32
        %lt3A_124 = arith.constant 125 : i32
        %lt3A_125 = arith.cmpi slt, %add3A_123, %lt3A_124 : i32
        %convert_element_type3A_126 = arith.extui %lt3A_125 : i1 to i32
        %cond3A_127 = arith.constant 0 : i32
        %cond3A_128 = arith.cmpi ne, %convert_element_type3A_126, %cond3A_127 : i32
        scf.if %cond3A_128 {
          %add3A_141 = arith.constant 1 : i32
          %add3A_142 = arith.addi %scan3A_77, %add3A_141 : i32
          %mul3A_143 = arith.constant 80 : i32
          %mul3A_144 = arith.muli %add3A_142, %mul3A_143 : i32
          %dma_start3A_145 = tpu.memref_slice %arg9[%mul3A_144] : memref<10000xi32, #tpu.memory_space<vmem>> -> memref<80xi32, #tpu.memory_space<vmem>>
          %dma_start3A_146 = arith.constant 0 : i32
          %dma_start3A_147 = arith.constant 0 : i32
          %dma_start3A_148 = tpu.memref_slice %arg2[%dma_start3A_146, %dma_start3A_147] : memref<10000x128xf32, #tpu.memory_space<hbm>> -> memref<10000x128xf32, #tpu.memory_space<hbm>>
          tpu.enqueue_indirect_dma source(%dma_start3A_148 : memref<10000x128xf32, #tpu.memory_space<hbm>>) target(%arg11 : memref<80x128xf32, #tpu.memory_space<vmem>>) offsets(%dma_start3A_145 : memref<80xi32, #tpu.memory_space<vmem>>) semaphore(%arg14 : memref<!tpu.dma_semaphore, #tpu.memory_space<semaphore_mem>>)
        } else {
        }
        %mul3A_129 = arith.constant 80 : i32
        %mul3A_130 = arith.muli %scan3A_77, %mul3A_129 : i32
        %dma_wait3A_131 = tpu.memref_slice %arg9[%mul3A_130] : memref<10000xi32, #tpu.memory_space<vmem>> -> memref<80xi32, #tpu.memory_space<vmem>>
        %dma_wait3A_132 = arith.constant 0 : i32
        %dma_wait3A_133 = arith.constant 0 : i32
        %dma_wait3A_134 = tpu.memref_slice %arg2[%dma_wait3A_132, %dma_wait3A_133] : memref<10000x128xf32, #tpu.memory_space<hbm>> -> memref<10000x128xf32, #tpu.memory_space<hbm>>
        tpu.wait_indirect_dma semaphore(%arg15 : memref<!tpu.dma_semaphore, #tpu.memory_space<semaphore_mem>>) src(%dma_wait3A_134 : memref<10000x128xf32, #tpu.memory_space<hbm>>) dst(%arg12 : memref<80x128xf32, #tpu.memory_space<vmem>>)
        %dma_start3A_135 = arith.constant 0 : i32
        %dma_start3A_136 = tpu.memref_slice %arg10[%scan3A_77, %dma_start3A_135] : memref<125x80xi32, #tpu.memory_space<vmem>> -> memref<1x80xi32, #tpu.memory_space<vmem>>
        %dma_start3A_137 = tpu.memref_squeeze %dma_start3A_136 : memref<1x80xi32, #tpu.memory_space<vmem>> -> memref<80xi32, #tpu.memory_space<vmem>>
        %dma_start3A_138 = arith.constant 0 : i32
        %dma_start3A_139 = arith.constant 0 : i32
        %dma_start3A_140 = tpu.memref_slice %arg13[%dma_start3A_138, %dma_start3A_139] : memref<10240x128xf32, #tpu.memory_space<vmem_shared>> -> memref<10240x128xf32, #tpu.memory_space<vmem_shared>>
        tpu.enqueue_indirect_dma source(%arg12 : memref<80x128xf32, #tpu.memory_space<vmem>>) target(%dma_start3A_140 : memref<10240x128xf32, #tpu.memory_space<vmem_shared>>) offsets(%dma_start3A_137 : memref<80xi32, #tpu.memory_space<vmem>>) semaphore(%arg17 : memref<!tpu.dma_semaphore, #tpu.memory_space<semaphore_mem>>) {add = true}
      } else {
      }
      %scan3A_112 = arith.constant 0 : i32
      scf.yield %scan3A_112 : i32
    }
    %scan3A_16 = arith.constant 125 : i32
    %dma_wait3A = arith.constant 0 : i32
    %dma_wait3A_17 = arith.constant 0 : i32
    %dma_wait3A_18 = tpu.memref_slice %arg10[%dma_wait3A, %dma_wait3A_17] : memref<125x80xi32, #tpu.memory_space<vmem>> -> memref<1x80xi32, #tpu.memory_space<vmem>>
    %dma_wait3A_19 = tpu.memref_squeeze %dma_wait3A_18 : memref<1x80xi32, #tpu.memory_space<vmem>> -> memref<80xi32, #tpu.memory_space<vmem>>
    %dma_wait3A_20 = arith.constant 0 : i32
    %dma_wait3A_21 = arith.constant 0 : i32
    %dma_wait3A_22 = tpu.memref_slice %arg13[%dma_wait3A_20, %dma_wait3A_21] : memref<10240x128xf32, #tpu.memory_space<vmem_shared>> -> memref<10240x128xf32, #tpu.memory_space<vmem_shared>>
    tpu.wait_indirect_dma semaphore(%arg16 : memref<!tpu.dma_semaphore, #tpu.memory_space<semaphore_mem>>) src(%arg11 : memref<80x128xf32, #tpu.memory_space<vmem>>) dst(%dma_wait3A_22 : memref<10240x128xf32, #tpu.memory_space<vmem_shared>>)
    %dma_wait3A_23 = arith.constant 0 : i32
    %dma_wait3A_24 = arith.constant 0 : i32
    %dma_wait3A_25 = tpu.memref_slice %arg10[%dma_wait3A_23, %dma_wait3A_24] : memref<125x80xi32, #tpu.memory_space<vmem>> -> memref<1x80xi32, #tpu.memory_space<vmem>>
    %dma_wait3A_26 = tpu.memref_squeeze %dma_wait3A_25 : memref<1x80xi32, #tpu.memory_space<vmem>> -> memref<80xi32, #tpu.memory_space<vmem>>
    %dma_wait3A_27 = arith.constant 0 : i32
    %dma_wait3A_28 = arith.constant 0 : i32
    %dma_wait3A_29 = tpu.memref_slice %arg13[%dma_wait3A_27, %dma_wait3A_28] : memref<10240x128xf32, #tpu.memory_space<vmem_shared>> -> memref<10240x128xf32, #tpu.memory_space<vmem_shared>>
    tpu.wait_indirect_dma semaphore(%arg17 : memref<!tpu.dma_semaphore, #tpu.memory_space<semaphore_mem>>) src(%arg12 : memref<80x128xf32, #tpu.memory_space<vmem>>) dst(%dma_wait3A_29 : memref<10240x128xf32, #tpu.memory_space<vmem_shared>>)
    %barrier3A_30 = arith.constant 0 : index
    tpu.barrier barrier_id(%barrier3A_30)
    %mul3A_31 = arith.constant 640 : i32
    %mul3A_32 = arith.muli %arg1, %mul3A_31 : i32
    "tpu.region"() ({
      %run_scoped3A = tpu.sem_alloc : memref<!tpu.dma_semaphore, #tpu.memory_space<semaphore_mem>>
      %dma_start3A_77 = arith.constant 0 : i32
      %dma_start3A_78 = arith.constant 0 : i32
      %dma_start3A_79 = tpu.memref_slice %arg7[%add3A, %dma_start3A_77, %dma_start3A_78] : memref<32x640x128xf32, #tpu.memory_space<hbm>> -> memref<1x640x128xf32, #tpu.memory_space<hbm>>
      %dma_start3A_80 = tpu.memref_squeeze %dma_start3A_79 : memref<1x640x128xf32, #tpu.memory_space<hbm>> -> memref<640x128xf32, #tpu.memory_space<hbm>>
      %dma_start3A_81 = arith.constant 0 : i32
      %dma_start3A_82 = tpu.memref_slice %arg13[%mul3A_32, %dma_start3A_81] : memref<10240x128xf32, #tpu.memory_space<vmem_shared>> -> memref<640x128xf32, #tpu.memory_space<vmem_shared>>
      tpu.enqueue_dma source(%dma_start3A_82 : memref<640x128xf32, #tpu.memory_space<vmem_shared>>) target(%dma_start3A_80 : memref<640x128xf32, #tpu.memory_space<hbm>>) target_semaphore(%run_scoped3A : memref<!tpu.dma_semaphore, #tpu.memory_space<semaphore_mem>>)
      %dma_wait3A_83 = arith.constant 0 : i32
      %dma_wait3A_84 = arith.constant 0 : i32
      %dma_wait3A_85 = tpu.memref_slice %arg7[%add3A, %dma_wait3A_83, %dma_wait3A_84] : memref<32x640x128xf32, #tpu.memory_space<hbm>> -> memref<1x640x128xf32, #tpu.memory_space<hbm>>
      %dma_wait3A_86 = tpu.memref_squeeze %dma_wait3A_85 : memref<1x640x128xf32, #tpu.memory_space<hbm>> -> memref<640x128xf32, #tpu.memory_space<hbm>>
      %dma_wait3A_87 = arith.constant 0 : i32
      %dma_wait3A_88 = tpu.memref_slice %arg13[%mul3A_32, %dma_wait3A_87] : memref<10240x128xf32, #tpu.memory_space<vmem_shared>> -> memref<640x128xf32, #tpu.memory_space<vmem_shared>>
      tpu.wait_dma2 semaphore(%run_scoped3A : memref<!tpu.dma_semaphore, #tpu.memory_space<semaphore_mem>>) src(%dma_wait3A_88 : memref<640x128xf32, #tpu.memory_space<vmem_shared>>) dst(%dma_wait3A_86 : memref<640x128xf32, #tpu.memory_space<hbm>>)
      tpu.yield
    }) : () -> ()
    %barrier3A_33 = arith.constant 0 : index
    tpu.barrier barrier_id(%barrier3A_33)
    %mul3A_34 = arith.constant 640 : i32
    %mul3A_35 = arith.muli %arg1, %mul3A_34 : i32
    %mul3A_36 = arith.constant 640 : i32
    %mul3A_37 = arith.muli %arg1, %mul3A_36 : i32
    "tpu.region"() ({
      %run_scoped3A = tpu.sem_alloc : memref<!tpu.dma_semaphore, #tpu.memory_space<semaphore_mem>>
      %dma_start3A_77 = arith.constant 0 : i32
      %dma_start3A_78 = tpu.memref_slice %arg13[%mul3A_37, %dma_start3A_77] : memref<10240x128xf32, #tpu.memory_space<vmem_shared>> -> memref<640x128xf32, #tpu.memory_space<vmem_shared>>
      %dma_start3A_79 = arith.constant 0 : i32
      %dma_start3A_80 = tpu.memref_slice %arg5[%mul3A_35, %dma_start3A_79] : memref<10240x128xf32, #tpu.memory_space<hbm>> -> memref<640x128xf32, #tpu.memory_space<hbm>>
      tpu.enqueue_dma source(%dma_start3A_80 : memref<640x128xf32, #tpu.memory_space<hbm>>) target(%dma_start3A_78 : memref<640x128xf32, #tpu.memory_space<vmem_shared>>) target_semaphore(%run_scoped3A : memref<!tpu.dma_semaphore, #tpu.memory_space<semaphore_mem>>)
      %dma_wait3A_81 = arith.constant 0 : i32
      %dma_wait3A_82 = tpu.memref_slice %arg13[%mul3A_37, %dma_wait3A_81] : memref<10240x128xf32, #tpu.memory_space<vmem_shared>> -> memref<640x128xf32, #tpu.memory_space<vmem_shared>>
      %dma_wait3A_83 = arith.constant 0 : i32
      %dma_wait3A_84 = tpu.memref_slice %arg5[%mul3A_35, %dma_wait3A_83] : memref<10240x128xf32, #tpu.memory_space<hbm>> -> memref<640x128xf32, #tpu.memory_space<hbm>>
      tpu.wait_dma2 semaphore(%run_scoped3A : memref<!tpu.dma_semaphore, #tpu.memory_space<semaphore_mem>>) src(%dma_wait3A_84 : memref<640x128xf32, #tpu.memory_space<hbm>>) dst(%dma_wait3A_82 : memref<640x128xf32, #tpu.memory_space<vmem_shared>>)
      tpu.yield
    }) : () -> ()
    "tpu.region"() ({
      %run_scoped3A = tpu.sem_alloc : memref<!tpu.dma_semaphore, #tpu.memory_space<semaphore_mem>>
      tpu.enqueue_dma source(%arg6 : memref<80x128xf32, #tpu.memory_space<hbm>>) target(%arg11 : memref<80x128xf32, #tpu.memory_space<vmem>>) target_semaphore(%run_scoped3A : memref<!tpu.dma_semaphore, #tpu.memory_space<semaphore_mem>>)
      tpu.wait_dma2 semaphore(%run_scoped3A : memref<!tpu.dma_semaphore, #tpu.memory_space<semaphore_mem>>) src(%arg6 : memref<80x128xf32, #tpu.memory_space<hbm>>) dst(%arg11 : memref<80x128xf32, #tpu.memory_space<vmem>>)
      tpu.yield
    }) : () -> ()
    %barrier3A_38 = arith.constant 0 : index
    tpu.barrier barrier_id(%barrier3A_38)
    %scan3A_39 = arith.constant 0 : i32
    %scan3A_40 = arith.constant 0 : i32
    %scan3A_41 = arith.constant 125 : i32
    %scan3A_42 = arith.addi %scan3A_40, %scan3A_41 : i32
    %scan3A_43 = arith.constant 1 : i32
    %scan3A_44 = scf.for %scan3A_77 = %scan3A_40 to %scan3A_42 step %scan3A_43 iter_args(%scan3A_78 = %scan3A_39) -> (i32)  : i32 {
      %jit3A = arith.constant 2 : i32
      %eq3A = arith.constant 0 : i32
      %eq3A_79 = arith.cmpi eq, %jit3A, %eq3A : i32
      %jit3A_80 = arith.constant 1 : i32
      %select_n3A = arith.select %eq3A_79, %jit3A_80, %jit3A : i32
      %rem3A = arith.remsi %scan3A_77, %select_n3A : i32
      %ne3A = arith.constant 0 : i32
      %ne3A_81 = arith.cmpi ne, %rem3A, %ne3A : i32
      %lt3A = arith.constant 0 : i32
      %lt3A_82 = arith.cmpi slt, %rem3A, %lt3A : i32
      %lt3A_83 = arith.constant 0 : i32
      %lt3A_84 = arith.cmpi slt, %select_n3A, %lt3A_83 : i32
      %ne3A_85 = arith.xori %lt3A_82, %lt3A_84 : i1
      %and3A = arith.andi %ne3A_85, %ne3A_81 : i1
      %add3A_86 = arith.addi %rem3A, %select_n3A : i32
      %select_n3A_87 = arith.select %and3A, %add3A_86, %rem3A : i32
      %eq3A_88 = arith.constant 0 : i32
      %eq3A_89 = arith.cmpi eq, %select_n3A_87, %eq3A_88 : i32
      %convert_element_type3A = arith.extui %eq3A_89 : i1 to i32
      %cond3A = arith.constant 0 : i32
      %cond3A_90 = arith.cmpi ne, %convert_element_type3A, %cond3A : i32
      scf.if %cond3A_90 {
        %ge3A = arith.constant 4 : i32
        %ge3A_113 = arith.cmpi sge, %scan3A_77, %ge3A : i32
        %convert_element_type3A_114 = arith.extui %ge3A_113 : i1 to i32
        %cond3A_115 = arith.constant 0 : i32
        %cond3A_116 = arith.cmpi ne, %convert_element_type3A_114, %cond3A_115 : i32
        scf.if %cond3A_116 {
          %dma_wait3A_123 = arith.constant 0 : i32
          %dma_wait3A_124 = tpu.memref_slice %arg10[%scan3A_77, %dma_wait3A_123] : memref<125x80xi32, #tpu.memory_space<vmem>> -> memref<1x80xi32, #tpu.memory_space<vmem>>
          %dma_wait3A_125 = tpu.memref_squeeze %dma_wait3A_124 : memref<1x80xi32, #tpu.memory_space<vmem>> -> memref<80xi32, #tpu.memory_space<vmem>>
          %dma_wait3A_126 = arith.constant 0 : i32
          %dma_wait3A_127 = arith.constant 0 : i32
          %dma_wait3A_128 = tpu.memref_slice %arg13[%dma_wait3A_126, %dma_wait3A_127] : memref<10240x128xf32, #tpu.memory_space<vmem_shared>> -> memref<10240x128xf32, #tpu.memory_space<vmem_shared>>
          tpu.wait_indirect_dma semaphore(%arg16 : memref<!tpu.dma_semaphore, #tpu.memory_space<semaphore_mem>>) src(%arg11 : memref<80x128xf32, #tpu.memory_space<vmem>>) dst(%dma_wait3A_128 : memref<10240x128xf32, #tpu.memory_space<vmem_shared>>)
        } else {
        }
        %dma_start3A_117 = arith.constant 0 : i32
        %dma_start3A_118 = tpu.memref_slice %arg10[%scan3A_77, %dma_start3A_117] : memref<125x80xi32, #tpu.memory_space<vmem>> -> memref<1x80xi32, #tpu.memory_space<vmem>>
        %dma_start3A_119 = tpu.memref_squeeze %dma_start3A_118 : memref<1x80xi32, #tpu.memory_space<vmem>> -> memref<80xi32, #tpu.memory_space<vmem>>
        %dma_start3A_120 = arith.constant 0 : i32
        %dma_start3A_121 = arith.constant 0 : i32
        %dma_start3A_122 = tpu.memref_slice %arg13[%dma_start3A_120, %dma_start3A_121] : memref<10240x128xf32, #tpu.memory_space<vmem_shared>> -> memref<10240x128xf32, #tpu.memory_space<vmem_shared>>
        tpu.enqueue_indirect_dma source(%arg11 : memref<80x128xf32, #tpu.memory_space<vmem>>) target(%dma_start3A_122 : memref<10240x128xf32, #tpu.memory_space<vmem_shared>>) offsets(%dma_start3A_119 : memref<80xi32, #tpu.memory_space<vmem>>) semaphore(%arg16 : memref<!tpu.dma_semaphore, #tpu.memory_space<semaphore_mem>>) {add = true}
      } else {
      }
      %jit3A_91 = arith.constant 2 : i32
      %eq3A_92 = arith.constant 0 : i32
      %eq3A_93 = arith.cmpi eq, %jit3A_91, %eq3A_92 : i32
      %jit3A_94 = arith.constant 1 : i32
      %select_n3A_95 = arith.select %eq3A_93, %jit3A_94, %jit3A_91 : i32
      %rem3A_96 = arith.remsi %scan3A_77, %select_n3A_95 : i32
      %ne3A_97 = arith.constant 0 : i32
      %ne3A_98 = arith.cmpi ne, %rem3A_96, %ne3A_97 : i32
      %lt3A_99 = arith.constant 0 : i32
      %lt3A_100 = arith.cmpi slt, %rem3A_96, %lt3A_99 : i32
      %lt3A_101 = arith.constant 0 : i32
      %lt3A_102 = arith.cmpi slt, %select_n3A_95, %lt3A_101 : i32
      %ne3A_103 = arith.xori %lt3A_100, %lt3A_102 : i1
      %and3A_104 = arith.andi %ne3A_103, %ne3A_98 : i1
      %add3A_105 = arith.addi %rem3A_96, %select_n3A_95 : i32
      %select_n3A_106 = arith.select %and3A_104, %add3A_105, %rem3A_96 : i32
      %eq3A_107 = arith.constant 1 : i32
      %eq3A_108 = arith.cmpi eq, %select_n3A_106, %eq3A_107 : i32
      %convert_element_type3A_109 = arith.extui %eq3A_108 : i1 to i32
      %cond3A_110 = arith.constant 0 : i32
      %cond3A_111 = arith.cmpi ne, %convert_element_type3A_109, %cond3A_110 : i32
      scf.if %cond3A_111 {
        %ge3A = arith.constant 4 : i32
        %ge3A_113 = arith.cmpi sge, %scan3A_77, %ge3A : i32
        %convert_element_type3A_114 = arith.extui %ge3A_113 : i1 to i32
        %cond3A_115 = arith.constant 0 : i32
        %cond3A_116 = arith.cmpi ne, %convert_element_type3A_114, %cond3A_115 : i32
        scf.if %cond3A_116 {
          %dma_wait3A_123 = arith.constant 0 : i32
          %dma_wait3A_124 = tpu.memref_slice %arg10[%scan3A_77, %dma_wait3A_123] : memref<125x80xi32, #tpu.memory_space<vmem>> -> memref<1x80xi32, #tpu.memory_space<vmem>>
          %dma_wait3A_125 = tpu.memref_squeeze %dma_wait3A_124 : memref<1x80xi32, #tpu.memory_space<vmem>> -> memref<80xi32, #tpu.memory_space<vmem>>
          %dma_wait3A_126 = arith.constant 0 : i32
          %dma_wait3A_127 = arith.constant 0 : i32
          %dma_wait3A_128 = tpu.memref_slice %arg13[%dma_wait3A_126, %dma_wait3A_127] : memref<10240x128xf32, #tpu.memory_space<vmem_shared>> -> memref<10240x128xf32, #tpu.memory_space<vmem_shared>>
          tpu.wait_indirect_dma semaphore(%arg17 : memref<!tpu.dma_semaphore, #tpu.memory_space<semaphore_mem>>) src(%arg11 : memref<80x128xf32, #tpu.memory_space<vmem>>) dst(%dma_wait3A_128 : memref<10240x128xf32, #tpu.memory_space<vmem_shared>>)
        } else {
        }
        %dma_start3A_117 = arith.constant 0 : i32
        %dma_start3A_118 = tpu.memref_slice %arg10[%scan3A_77, %dma_start3A_117] : memref<125x80xi32, #tpu.memory_space<vmem>> -> memref<1x80xi32, #tpu.memory_space<vmem>>
        %dma_start3A_119 = tpu.memref_squeeze %dma_start3A_118 : memref<1x80xi32, #tpu.memory_space<vmem>> -> memref<80xi32, #tpu.memory_space<vmem>>
        %dma_start3A_120 = arith.constant 0 : i32
        %dma_start3A_121 = arith.constant 0 : i32
        %dma_start3A_122 = tpu.memref_slice %arg13[%dma_start3A_120, %dma_start3A_121] : memref<10240x128xf32, #tpu.memory_space<vmem_shared>> -> memref<10240x128xf32, #tpu.memory_space<vmem_shared>>
        tpu.enqueue_indirect_dma source(%arg11 : memref<80x128xf32, #tpu.memory_space<vmem>>) target(%dma_start3A_122 : memref<10240x128xf32, #tpu.memory_space<vmem_shared>>) offsets(%dma_start3A_119 : memref<80xi32, #tpu.memory_space<vmem>>) semaphore(%arg17 : memref<!tpu.dma_semaphore, #tpu.memory_space<semaphore_mem>>) {add = true}
      } else {
      }
      %scan3A_112 = arith.constant 0 : i32
      scf.yield %scan3A_112 : i32
    }
    %scan3A_45 = arith.constant 125 : i32
    %dma_wait3A_46 = arith.constant 0 : i32
    %dma_wait3A_47 = arith.constant 0 : i32
    %dma_wait3A_48 = tpu.memref_slice %arg10[%dma_wait3A_46, %dma_wait3A_47] : memref<125x80xi32, #tpu.memory_space<vmem>> -> memref<1x80xi32, #tpu.memory_space<vmem>>
    %dma_wait3A_49 = tpu.memref_squeeze %dma_wait3A_48 : memref<1x80xi32, #tpu.memory_space<vmem>> -> memref<80xi32, #tpu.memory_space<vmem>>
    %dma_wait3A_50 = arith.constant 0 : i32
    %dma_wait3A_51 = arith.constant 0 : i32
    %dma_wait3A_52 = tpu.memref_slice %arg13[%dma_wait3A_50, %dma_wait3A_51] : memref<10240x128xf32, #tpu.memory_space<vmem_shared>> -> memref<10240x128xf32, #tpu.memory_space<vmem_shared>>
    tpu.wait_indirect_dma semaphore(%arg16 : memref<!tpu.dma_semaphore, #tpu.memory_space<semaphore_mem>>) src(%arg11 : memref<80x128xf32, #tpu.memory_space<vmem>>) dst(%dma_wait3A_52 : memref<10240x128xf32, #tpu.memory_space<vmem_shared>>)
    %dma_wait3A_53 = arith.constant 0 : i32
    %dma_wait3A_54 = arith.constant 0 : i32
    %dma_wait3A_55 = tpu.memref_slice %arg10[%dma_wait3A_53, %dma_wait3A_54] : memref<125x80xi32, #tpu.memory_space<vmem>> -> memref<1x80xi32, #tpu.memory_space<vmem>>
    %dma_wait3A_56 = tpu.memref_squeeze %dma_wait3A_55 : memref<1x80xi32, #tpu.memory_space<vmem>> -> memref<80xi32, #tpu.memory_space<vmem>>
    %dma_wait3A_57 = arith.constant 0 : i32
    %dma_wait3A_58 = arith.constant 0 : i32
    %dma_wait3A_59 = tpu.memref_slice %arg13[%dma_wait3A_57, %dma_wait3A_58] : memref<10240x128xf32, #tpu.memory_space<vmem_shared>> -> memref<10240x128xf32, #tpu.memory_space<vmem_shared>>
    tpu.wait_indirect_dma semaphore(%arg16 : memref<!tpu.dma_semaphore, #tpu.memory_space<semaphore_mem>>) src(%arg11 : memref<80x128xf32, #tpu.memory_space<vmem>>) dst(%dma_wait3A_59 : memref<10240x128xf32, #tpu.memory_space<vmem_shared>>)
    %dma_wait3A_60 = arith.constant 0 : i32
    %dma_wait3A_61 = arith.constant 0 : i32
    %dma_wait3A_62 = tpu.memref_slice %arg10[%dma_wait3A_60, %dma_wait3A_61] : memref<125x80xi32, #tpu.memory_space<vmem>> -> memref<1x80xi32, #tpu.memory_space<vmem>>
    %dma_wait3A_63 = tpu.memref_squeeze %dma_wait3A_62 : memref<1x80xi32, #tpu.memory_space<vmem>> -> memref<80xi32, #tpu.memory_space<vmem>>
    %dma_wait3A_64 = arith.constant 0 : i32
    %dma_wait3A_65 = arith.constant 0 : i32
    %dma_wait3A_66 = tpu.memref_slice %arg13[%dma_wait3A_64, %dma_wait3A_65] : memref<10240x128xf32, #tpu.memory_space<vmem_shared>> -> memref<10240x128xf32, #tpu.memory_space<vmem_shared>>
    tpu.wait_indirect_dma semaphore(%arg17 : memref<!tpu.dma_semaphore, #tpu.memory_space<semaphore_mem>>) src(%arg11 : memref<80x128xf32, #tpu.memory_space<vmem>>) dst(%dma_wait3A_66 : memref<10240x128xf32, #tpu.memory_space<vmem_shared>>)
    %dma_wait3A_67 = arith.constant 0 : i32
    %dma_wait3A_68 = arith.constant 0 : i32
    %dma_wait3A_69 = tpu.memref_slice %arg10[%dma_wait3A_67, %dma_wait3A_68] : memref<125x80xi32, #tpu.memory_space<vmem>> -> memref<1x80xi32, #tpu.memory_space<vmem>>
    %dma_wait3A_70 = tpu.memref_squeeze %dma_wait3A_69 : memref<1x80xi32, #tpu.memory_space<vmem>> -> memref<80xi32, #tpu.memory_space<vmem>>
    %dma_wait3A_71 = arith.constant 0 : i32
    %dma_wait3A_72 = arith.constant 0 : i32
    %dma_wait3A_73 = tpu.memref_slice %arg13[%dma_wait3A_71, %dma_wait3A_72] : memref<10240x128xf32, #tpu.memory_space<vmem_shared>> -> memref<10240x128xf32, #tpu.memory_space<vmem_shared>>
    tpu.wait_indirect_dma semaphore(%arg17 : memref<!tpu.dma_semaphore, #tpu.memory_space<semaphore_mem>>) src(%arg11 : memref<80x128xf32, #tpu.memory_space<vmem>>) dst(%dma_wait3A_73 : memref<10240x128xf32, #tpu.memory_space<vmem_shared>>)
    %barrier3A_74 = arith.constant 0 : index
    tpu.barrier barrier_id(%barrier3A_74)
    %mul3A_75 = arith.constant 640 : i32
    %mul3A_76 = arith.muli %arg1, %mul3A_75 : i32
    "tpu.region"() ({
      %run_scoped3A = tpu.sem_alloc : memref<!tpu.dma_semaphore, #tpu.memory_space<semaphore_mem>>
      %dma_start3A_77 = arith.constant 0 : i32
      %dma_start3A_78 = arith.constant 0 : i32
      %dma_start3A_79 = tpu.memref_slice %arg8[%add3A, %dma_start3A_77, %dma_start3A_78] : memref<32x640x128xf32, #tpu.memory_space<hbm>> -> memref<1x640x128xf32, #tpu.memory_space<hbm>>
      %dma_start3A_80 = tpu.memref_squeeze %dma_start3A_79 : memref<1x640x128xf32, #tpu.memory_space<hbm>> -> memref<640x128xf32, #tpu.memory_space<hbm>>
      %dma_start3A_81 = arith.constant 0 : i32
      %dma_start3A_82 = tpu.memref_slice %arg13[%mul3A_76, %dma_start3A_81] : memref<10240x128xf32, #tpu.memory_space<vmem_shared>> -> memref<640x128xf32, #tpu.memory_space<vmem_shared>>
      tpu.enqueue_dma source(%dma_start3A_82 : memref<640x128xf32, #tpu.memory_space<vmem_shared>>) target(%dma_start3A_80 : memref<640x128xf32, #tpu.memory_space<hbm>>) target_semaphore(%run_scoped3A : memref<!tpu.dma_semaphore, #tpu.memory_space<semaphore_mem>>)
      %dma_wait3A_83 = arith.constant 0 : i32
      %dma_wait3A_84 = arith.constant 0 : i32
      %dma_wait3A_85 = tpu.memref_slice %arg8[%add3A, %dma_wait3A_83, %dma_wait3A_84] : memref<32x640x128xf32, #tpu.memory_space<hbm>> -> memref<1x640x128xf32, #tpu.memory_space<hbm>>
      %dma_wait3A_86 = tpu.memref_squeeze %dma_wait3A_85 : memref<1x640x128xf32, #tpu.memory_space<hbm>> -> memref<640x128xf32, #tpu.memory_space<hbm>>
      %dma_wait3A_87 = arith.constant 0 : i32
      %dma_wait3A_88 = tpu.memref_slice %arg13[%mul3A_76, %dma_wait3A_87] : memref<10240x128xf32, #tpu.memory_space<vmem_shared>> -> memref<640x128xf32, #tpu.memory_space<vmem_shared>>
      tpu.wait_dma2 semaphore(%run_scoped3A : memref<!tpu.dma_semaphore, #tpu.memory_space<semaphore_mem>>) src(%dma_wait3A_88 : memref<640x128xf32, #tpu.memory_space<vmem_shared>>) dst(%dma_wait3A_86 : memref<640x128xf32, #tpu.memory_space<hbm>>)
      tpu.yield
    }) : () -> ()
    return
  }
}

module attributes {stable_mosaic.version = 14 : i64} {
  func.func @_tc_fuse_body(%arg0: i32, %arg1: memref<1000x128xf32, #tpu.memory_space<vmem>>, %arg2: memref<2x1000x128xf32, #tpu.memory_space<vmem>>, %arg3: memref<2x1000x128xf32, #tpu.memory_space<vmem>>, %arg4: memref<128x128xf32, #tpu.memory_space<vmem>>, %arg5: memref<1x128xf32, #tpu.memory_space<vmem>>, %arg6: memref<128x128xf32, #tpu.memory_space<vmem>>, %arg7: memref<1x128xf32, #tpu.memory_space<vmem>>, %arg8: memref<1000x128xf32, #tpu.memory_space<vmem>>) attributes {dimension_semantics = [#tpu.dimension_semantics<arbitrary>], iteration_bounds = array<i64: 10>, scalar_prefetch = 0 : i64, scratch_operands = 0 : i64, tpu.core_type = #tpu.core_type<tc>, window_params = [{transform_indices = @transform_0, window_bounds = array<i64: 1000, 128>}, {transform_indices = @transform_1, window_bounds = array<i64: 2, 1000, 128>}, {transform_indices = @transform_2, window_bounds = array<i64: 2, 1000, 128>}, {pipeline_mode = #tpu.pipeline_mode<synchronous>, transform_indices = @transform_3, window_bounds = array<i64: 128, 128>}, {pipeline_mode = #tpu.pipeline_mode<synchronous>, transform_indices = @transform_4, window_bounds = array<i64: 1, 128>}, {pipeline_mode = #tpu.pipeline_mode<synchronous>, transform_indices = @transform_5, window_bounds = array<i64: 128, 128>}, {pipeline_mode = #tpu.pipeline_mode<synchronous>, transform_indices = @transform_6, window_bounds = array<i64: 1, 128>}, {transform_indices = @transform_7, window_bounds = array<i64: 1000, 128>}]} {
    %get3A = arith.constant 0 : index
    %get3A_0 = arith.constant 0 : index
    %get3A_1 = vector.load %arg1[%get3A, %get3A_0] : memref<1000x128xf32, #tpu.memory_space<vmem>>, vector<1000x128xf32>
    %get3A_2 = arith.constant 0 : index
    %get3A_3 = arith.constant 0 : index
    %get3A_4 = arith.constant 0 : index
    %get3A_5 = vector.load %arg2[%get3A_2, %get3A_3, %get3A_4] : memref<2x1000x128xf32, #tpu.memory_space<vmem>>, vector<1x1000x128xf32>
    %get3A_6 = vector.shape_cast %get3A_5 : vector<1x1000x128xf32> to vector<1000x128xf32>
    %get3A_7 = arith.constant 1 : index
    %get3A_8 = arith.constant 0 : index
    %get3A_9 = arith.constant 0 : index
    %get3A_10 = vector.load %arg2[%get3A_7, %get3A_8, %get3A_9] : memref<2x1000x128xf32, #tpu.memory_space<vmem>>, vector<1x1000x128xf32>
    %get3A_11 = vector.shape_cast %get3A_10 : vector<1x1000x128xf32> to vector<1000x128xf32>
    %add3A = arith.addf %get3A_6, %get3A_11 : vector<1000x128xf32>
    %get3A_12 = arith.constant 0 : index
    %get3A_13 = arith.constant 0 : index
    %get3A_14 = arith.constant 0 : index
    %get3A_15 = vector.load %arg3[%get3A_12, %get3A_13, %get3A_14] : memref<2x1000x128xf32, #tpu.memory_space<vmem>>, vector<1x1000x1xf32>
    %get3A_16 = vector.shape_cast %get3A_15 : vector<1x1000x1xf32> to vector<1000x1xf32>
    %get3A_17 = arith.constant 1 : index
    %get3A_18 = arith.constant 0 : index
    %get3A_19 = arith.constant 0 : index
    %get3A_20 = vector.load %arg3[%get3A_17, %get3A_18, %get3A_19] : memref<2x1000x128xf32, #tpu.memory_space<vmem>>, vector<1x1000x1xf32>
    %get3A_21 = vector.shape_cast %get3A_20 : vector<1x1000x1xf32> to vector<1000x1xf32>
    %add3A_22 = arith.addf %get3A_16, %get3A_21 : vector<1000x1xf32>
    %max3A = arith.constant 1.000000e+00 : f32
    %max3A_23 = vector.broadcast %max3A : f32 to vector<1000x1xf32>
    %max3A_24 = arith.maximumf %add3A_22, %max3A_23 : vector<1000x1xf32>
    %div3A = arith.constant 1.000000e+00 : f32
    %div3A_25 = vector.broadcast %div3A : f32 to vector<1000x1xf32>
    %div3A_26 = arith.divf %div3A_25, %max3A_24 : vector<1000x1xf32>
    %min3A = arith.constant 1.000000e+00 : f32
    %min3A_27 = vector.broadcast %min3A : f32 to vector<1000x1xf32>
    %min3A_28 = arith.minimumf %add3A_22, %min3A_27 : vector<1000x1xf32>
    %mul3A = vector.broadcast %div3A_26 : vector<1000x1xf32> to vector<1000x128xf32>
    %mul3A_29 = arith.mulf %add3A, %mul3A : vector<1000x128xf32>
    %add3A_30 = arith.addf %get3A_1, %mul3A_29 : vector<1000x128xf32>
    %get3A_31 = arith.constant 0 : index
    %get3A_32 = arith.constant 0 : index
    %get3A_33 = vector.load %arg4[%get3A_31, %get3A_32] : memref<128x128xf32, #tpu.memory_space<vmem>>, vector<128x128xf32>
    %dot_general3A = arith.constant dense<0.000000e+00> : vector<1000x128xf32>
    %dot_general3A_34 = tpu.matmul %add3A_30, %get3A_33, %dot_general3A {dimension_numbers = #tpu.dot_dimension_numbers<[1], [0], [0], [1], [0, 0, 1, 1], [], []>, transpose_lhs_hint = false} : vector<1000x128xf32>, vector<128x128xf32>, vector<1000x128xf32> -> vector<1000x128xf32>
    %get3A_35 = arith.constant 0 : index
    %get3A_36 = arith.constant 0 : index
    %get3A_37 = vector.load %arg5[%get3A_35, %get3A_36] : memref<1x128xf32, #tpu.memory_space<vmem>>, vector<1x128xf32>
    %add3A_38 = arith.constant 1.000000e+00 : f32
    %add3A_39 = vector.broadcast %add3A_38 : f32 to vector<1000x1xf32>
    %add3A_40 = arith.addf %add3A_39, %min3A_28 : vector<1000x1xf32>
    %mul3A_41 = vector.broadcast %get3A_37 : vector<1x128xf32> to vector<1000x128xf32>
    %mul3A_42 = vector.broadcast %add3A_40 : vector<1000x1xf32> to vector<1000x128xf32>
    %mul3A_43 = arith.mulf %mul3A_41, %mul3A_42 : vector<1000x128xf32>
    %add3A_44 = arith.addf %dot_general3A_34, %mul3A_43 : vector<1000x128xf32>
    %max3A_45 = arith.constant 0.000000e+00 : f32
    %max3A_46 = vector.broadcast %max3A_45 : f32 to vector<1000x128xf32>
    %max3A_47 = arith.maximumf %add3A_44, %max3A_46 : vector<1000x128xf32>
    %get3A_48 = arith.constant 0 : index
    %get3A_49 = arith.constant 0 : index
    %get3A_50 = vector.load %arg6[%get3A_48, %get3A_49] : memref<128x128xf32, #tpu.memory_space<vmem>>, vector<128x128xf32>
    %dot_general3A_51 = arith.constant dense<0.000000e+00> : vector<1000x128xf32>
    %dot_general3A_52 = tpu.matmul %max3A_47, %get3A_50, %dot_general3A_51 {dimension_numbers = #tpu.dot_dimension_numbers<[1], [0], [0], [1], [0, 0, 1, 1], [], []>, transpose_lhs_hint = false} : vector<1000x128xf32>, vector<128x128xf32>, vector<1000x128xf32> -> vector<1000x128xf32>
    %mul3A_53 = arith.constant 5.000000e-01 : f32
    %mul3A_54 = vector.broadcast %mul3A_53 : f32 to vector<1000x128xf32>
    %mul3A_55 = arith.mulf %dot_general3A_52, %mul3A_54 : vector<1000x128xf32>
    %get3A_56 = arith.constant 0 : index
    %get3A_57 = arith.constant 0 : index
    %get3A_58 = vector.load %arg7[%get3A_56, %get3A_57] : memref<1x128xf32, #tpu.memory_space<vmem>>, vector<1x128xf32>
    %mul3A_59 = arith.constant 5.000000e-01 : f32
    %mul3A_60 = vector.broadcast %mul3A_59 : f32 to vector<1x128xf32>
    %mul3A_61 = arith.mulf %get3A_58, %mul3A_60 : vector<1x128xf32>
    %add3A_62 = vector.broadcast %mul3A_61 : vector<1x128xf32> to vector<1000x128xf32>
    %add3A_63 = arith.addf %mul3A_55, %add3A_62 : vector<1000x128xf32>
    %swap3A = arith.constant 0 : index
    %swap3A_64 = arith.constant 0 : index
    %swap3A_65 = vector.load %arg8[%swap3A, %swap3A_64] : memref<1000x128xf32, #tpu.memory_space<vmem>>, vector<1000x128xf32>
    tpu.vector_store %arg8[%swap3A, %swap3A_64], %add3A_63 {strides = array<i32>} : memref<1000x128xf32, #tpu.memory_space<vmem>>, vector<1000x128xf32>,
    return
  }
  func.func @transform_0(%arg0: i32) -> (i32, i32) {
    %c0_i32 = arith.constant 0 : i32
    %c0_i32_0 = arith.constant 0 : i32
    return %arg0, %c0_i32 : i32, i32
  }
  func.func @transform_1(%arg0: i32) -> (i32, i32, i32) {
    %c0_i32 = arith.constant 0 : i32
    %c0_i32_0 = arith.constant 0 : i32
    %c0_i32_1 = arith.constant 0 : i32
    return %c0_i32, %arg0, %c0_i32_0 : i32, i32, i32
  }
  func.func @transform_2(%arg0: i32) -> (i32, i32, i32) {
    %c0_i32 = arith.constant 0 : i32
    %c0_i32_0 = arith.constant 0 : i32
    %c0_i32_1 = arith.constant 0 : i32
    return %c0_i32, %arg0, %c0_i32_0 : i32, i32, i32
  }
  func.func @transform_3(%arg0: i32) -> (i32, i32) {
    %c0_i32 = arith.constant 0 : i32
    %c0_i32_0 = arith.constant 0 : i32
    %c0_i32_1 = arith.constant 0 : i32
    return %c0_i32, %c0_i32_0 : i32, i32
  }
  func.func @transform_4(%arg0: i32) -> (i32, i32) {
    %c0_i32 = arith.constant 0 : i32
    %c0_i32_0 = arith.constant 0 : i32
    %c0_i32_1 = arith.constant 0 : i32
    return %c0_i32, %c0_i32_0 : i32, i32
  }
  func.func @transform_5(%arg0: i32) -> (i32, i32) {
    %c0_i32 = arith.constant 0 : i32
    %c0_i32_0 = arith.constant 0 : i32
    %c0_i32_1 = arith.constant 0 : i32
    return %c0_i32, %c0_i32_0 : i32, i32
  }
  func.func @transform_6(%arg0: i32) -> (i32, i32) {
    %c0_i32 = arith.constant 0 : i32
    %c0_i32_0 = arith.constant 0 : i32
    %c0_i32_1 = arith.constant 0 : i32
    return %c0_i32, %c0_i32_0 : i32, i32
  }
  func.func @transform_7(%arg0: i32) -> (i32, i32) {
    %c0_i32 = arith.constant 0 : i32
    %c0_i32_0 = arith.constant 0 : i32
    return %arg0, %c0_i32 : i32, i32
  }
}

</mosaic_0001>

<sc_bundles>
// kernel: _run.5.cloned.1.call-start
scs
__scs_entry_jumppad:
0x0: {  	(pc) =	sbr.rel $0x88, $3  }
0x1: {  	(tag) =	ssettag $0x0;
	lr =	simm.s32 $0x1  }
0x2: {  	[smem:$0x3F9B] =	sst lr;
	_ =	strace $0xD0000000  }
0x3: {  	_ = 	snop  }
0x4: {  	_ = 	snop  }
0x5: {  	_ = 	snop  }
0x6: {  	_ = 	snop  }
0x7: {  	_ = 	snop  }
__scs_overlays_trampoline_lowered:
0x8: {  	[smem:$0x3FAA] =	sst s0  }
0x9: {  	[smem:$0x3FAB] =	sst s1  }
0xa: {  	[smem:$0x3FAC] =	sst s2  }
0xb: {  	[smem:$0x3FAD] =	sst s3  }
0xc: {  	[smem:$0x3FAE] =	sst s4  }
0xd: {  	[smem:$0x3FAF] =	sst s5  }
0xe: {  	[smem:$0x3FB0] =	sst s6  }
0xf: {  	[smem:$0x3FB1] =	sst s7  }
0x10: {  	[smem:$0x3FB2] =	sst s8  }
0x11: {  	[smem:$0x3FB3] =	sst s9;
	s0 =	simm.s32 @!p0 $0x0  }
0x12: {  	s1 =	sld [smem:$0x3F99];
	s0 =	simm.s32 @p0 $0x1  }
0x13: {  	[smem:$0x3FB4] =	sst s0;
	s0 =	simm.s32 @!p1 $0x0  }
0x14: {  	s2 =	sld [smem:$0x3F98];
	s0 =	simm.s32 @p1 $0x1  }
0x15: {  	[smem:$0x3FB5] =	sst s0;
	s0 =	simm.s32 @!p2 $0x0  }
0x16: {  	s3 =	sld [smem:$0x3FDB];
	s0 =	simm.s32 @p2 $0x1  }
0x17: {  	s4 =	simm.s32 $0x1BF5;
	[smem:$0x3FB7] =	sst s0  }
0x18: {  	s0 =	sld [smem:$0x3F9A];
	_ =	swait.ge [sflag:s4], $0x0  }
0x19: {  	s7 =	sld [smem:$0x3F9B]  }
0x1a: {  	s8 =	sadd.s32 $0xFFFFE003, lr  }
0x1b: {  	s9 =	sadd.s32 $0xFFFFFEF7, lr;
	s5 =	simm.s32 $0xFFFFFFFF;
	p2 =	slt.u32 s8, $0xFFFFF086  }
0x1c: {  	p1 =	slt.u32 s9, $0xF7A;
	s5 =	simm.s32 @!p2 $0x0  }
0x1d: {  	s5 =	simm.s32 @p1 $0x1;
	p0 =	seq.s32 s7, s2  }
0x1e: {  	s7 =	smul.u32 @!p0 $0xF7A, s2;
	p2 =	seq.s32 @!p0 s5, $0x0  }
0x1f: {  	s9 =	smul.u32 $0xF7A, s1;
	s8 =	simm.s32 @!p0 $0x1BF5;
	p2 =	por !p2, p0  }
0x20: {  	[sflag:s8] =	ssyncset.s32 @!p0 $0xFFFFF086;
	s6 =	sadd.s32 @!p0 s3, s7;
	s7 =	simm.s32 @!p0 $0x108  }
0x21: {  	s3 =	sadd.s32 s3, s9;
	s6 =	sadd.s32 @!p0 $0x88, s6;
	s7 =	simm.s32 @p2 $0x1082  }
0x22: {  	[simem:s7], [sflag:s8] =	dma.local @!p0 [hbm:s6], $0xF7A  }
0x23: {  	s9 =	sor.u32 $0xD0000000, s2;
	s6 =	simm.s32 $0x108;
	_ =	swait.ge @!p0 [sflag:s8], $0x0  }
0x24: {  	s3 =	sadd.s32 $0x88, s3;
	s6 =	simm.s32 @!p1 $0x1082;
	[sflag:s4] =	ssyncset.s32 $0xFFFFF086  }
0x25: {  	[simem:s6], [sflag:s4] =	dma.local [hbm:s3], $0xF7A  }
0x26: {  	[smem:$0x3F9B] =	sst s1;
	(tag) =	ssettag s2;
	_ =	strace s9  }
0x27: {  	s1 =	sld [smem:$0x3FAB]  }
0x28: {  	s2 =	sld [smem:$0x3FAC]  }
0x29: {  	s4 =	sld [smem:$0x3FAE]  }
0x2a: {  	p0 =	seq.s32 s5, $0x0;
	s5 =	sld [smem:$0x3FAF]  }
0x2b: {  	s6 =	sld [smem:$0x3FB0]  }
0x2c: {  	s7 =	sld [smem:$0x3FB1]  }
0x2d: {  	s3 =	simm.s32 $0x108;
	s8 =	sld [smem:$0x3FB2]  }
0x2e: {  	s3 =	simm.s32 @!p0 $0x1082;
	s9 =	sld [smem:$0x3FB3]  }
0x2f: {  	lr =	sadd.s32 s0, s3;
	s0 =	sld [smem:$0x3FAA]  }
0x30: {  	s3 =	sld [smem:$0x3FAD]  }
0x31: {  	[smem:$0x3FB6] =	sst s10  }
0x32: {  	s10 =	sld [smem:$0x3FB4];
	_ =	sdelay $0x3  }
0x33: {  	p0 =	seq.s32 s10, $0x1;
	s10 =	sld [smem:$0x3FB6];
	_ =	sdelay $0x3  }
0x34: {  	[smem:$0x3FB6] =	sst s10  }
0x35: {  	s10 =	sld [smem:$0x3FB5];
	_ =	sdelay $0x3  }
0x36: {  	p1 =	seq.s32 s10, $0x1;
	s10 =	sld [smem:$0x3FB6];
	_ =	sdelay $0x3  }
0x37: {  	[smem:$0x3FB6] =	sst s10  }
0x38: {  	s10 =	sld [smem:$0x3FB7]  }
0x39: {  	_ = 	snop;
	(pc) =	sbr.ind lr, $3  }
0x3a: {  	_ = 	snop  }
0x3b: {  	_ = 	snop  }
0x3c: {  	p2 =	seq.s32 s10, $0x1;
	s10 =	sld [smem:$0x3FB6]  }
0x3d: {  	_ =	shalt  }
0x3e: {  	_ =	shalt  }
0x3f: {  	_ =	shalt  }
0x40: {  	_ =	shalt  }
0x41: {  	_ =	shalt  }
0x42: {  	_ =	shalt  }
0x43: {  	_ =	shalt  }
0x44: {  	_ =	shalt  }
0x45: {  	_ =	shalt  }
0x46: {  	_ =	shalt  }
0x47: {  	_ =	shalt  }
0x48: {  	_ =	shalt  }
0x49: {  	_ =	shalt  }
0x4a: {  	_ =	shalt  }
0x4b: {  	_ =	shalt  }
0x4c: {  	_ =	shalt  }
0x4d: {  	_ =	shalt  }
0x4e: {  	_ =	shalt  }
0x4f: {  	_ =	shalt  }
0x50: {  	_ =	shalt  }
0x51: {  	_ =	shalt  }
0x52: {  	_ =	shalt  }
0x53: {  	_ =	shalt  }
0x54: {  	_ =	shalt  }
0x55: {  	_ =	shalt  }
0x56: {  	_ =	shalt  }
0x57: {  	_ =	shalt  }
0x58: {  	_ =	shalt  }
0x59: {  	_ =	shalt  }
0x5a: {  	_ =	shalt  }
0x5b: {  	_ =	shalt  }
0x5c: {  	_ =	shalt  }
0x5d: {  	_ =	shalt  }
0x5e: {  	_ =	shalt  }
0x5f: {  	_ =	shalt  }
0x60: {  	_ =	shalt  }
0x61: {  	_ =	shalt  }
0x62: {  	_ =	shalt  }
0x63: {  	_ =	shalt  }
0x64: {  	_ =	shalt  }
0x65: {  	_ =	shalt  }
0x66: {  	_ =	shalt  }
0x67: {  	_ =	shalt  }
0x68: {  	_ =	shalt  }
0x69: {  	_ =	shalt  }
0x6a: {  	_ =	shalt  }
0x6b: {  	_ =	shalt  }
0x6c: {  	_ =	shalt  }
0x6d: {  	_ =	shalt  }
0x6e: {  	_ =	shalt  }
0x6f: {  	_ =	shalt  }
0x70: {  	_ =	shalt  }
0x71: {  	_ =	shalt  }
0x72: {  	_ =	shalt  }
0x73: {  	_ =	shalt  }
0x74: {  	_ =	shalt  }
0x75: {  	_ =	shalt  }
0x76: {  	_ =	shalt  }
0x77: {  	_ =	shalt  }
0x78: {  	_ =	shalt  }
0x79: {  	_ =	shalt  }
0x7a: {  	_ =	shalt  }
0x7b: {  	_ =	shalt  }
0x7c: {  	_ =	shalt  }
0x7d: {  	_ =	shalt  }
0x7e: {  	_ =	shalt  }
0x7f: {  	_ =	shalt  }
0x80: {  	_ =	shalt  }
0x81: {  	_ =	shalt  }
0x82: {  	_ =	shalt  }
0x83: {  	_ =	shalt  }
0x84: {  	_ =	shalt  }
0x85: {  	_ =	shalt  }
0x86: {  	_ =	shalt  }
0x87: {  	_ =	shalt  }
.Lfunc_end0:
.L_simem_size_0:
called_computation_lowered:
.L_overlay_start_0:
0x88: {  	s2 =	sld [smem:$0x3FD9]  }
0x89: {  	s3 =	sld [smem:$0x3FFE];
	_ =	sdelay $0x1  }
0x8a: {  	s1 =	srdreg.scid  }
0x8b: {  	s0 =	sand.u32 $0x1, s1  }
0x8c: {  	s17 =	sshll.u32 s0, $0xA;
	s2 =	sadd.s32 s3, s2  }
0x8d: {  	s2 =	sadd.s32 s2, s17  }
0x8e: {  	[smem:$0x3FC2] =	sst s2  }
0x8f: {  	_ = 	snop  }
0x90: {  	s2 =	sld [smem:$0x3FC9]  }
0x91: {  	s18 =	sld [smem:$0x3FD0];
	(tm) =	ssettm $0x1  }
0x92: {  	s4 =	sld [smem:$0x3FFB];
	_ =	sdelay $0x3  }
0x93: {  	_ =	strace s4  }
0x94: {  	s4 =	sld [smem:$0x3FFC];
	_ =	sdelay $0x3  }
0x95: {  	_ =	strace s4  }
0x96: {  	s4 =	sld [smem:$0x3FFD];
	_ =	sdelay $0x3  }
0x97: {  	_ =	strace s4  }
0x98: {  	_ =	strace $0x8FFFFFFF  }
0x99: {  	s19 =	sld [smem:$0x3FDB];
	_ =	sdelay $0x1  }
0x9a: {  	s5 =	simm.s32 $_scs_section_size  }
0x9b: {  	s6 =	simm.s32 $_size__tile_overlayer_lowered;
	s7 =	simm.s32 $_tile_overlayer_lowered  }
0x9c: {  	s22 =	simm.s32 $0x1BFF;
	s21 =	sshll.u32 s7, $0x1;
	s4 =	sadd.s32 s5, s19  }
0x9d: {  	s8 =	simm.s32 $0x0;
	s20 =	sshll.u32 s6, $0x1;
	s6 =	sadd.s32 s21, s4  }
0x9e: {  	[timem:s8], [sflag:s22] =	dma.local [hbm:s6], s20  }
0x9f: {  	_ =	swait.ge [sflag:s22], s20  }
0xa0: {  	s5 =	ssub.s32 $0x0, s20;
	[sflag:s22] =	ssyncset.done $0x0  }
0xa1: {  	[sflag:s22] =	ssyncadd.s32 s5;
	_ =	sdelay $0x1  }
0xa2: {  	s23 =	simm.s32 $0x1B8B  }
0xa3: {  	_ =	swait.ge [sflag:s23], $0x1  }
0xa4: {  	[sflag:s23] =	ssyncset.done $0x0  }
0xa5: {  	s25 =	simm.s32 $0x1B8E;
	s24 =	sld [smem:$0x3FFE];
	[sflag:s23] =	ssyncadd.s32 $0xFFFFFFFF  }
0xa6: {  	s26 =	simm.s32 $execute0_lowered;
	[smem:$0x3FD2] =	sst s25  }
0xa7: {  	s6 =	sshll.u32 s26, $0x1;
	_ =	strace $0x80000046;
	[dreg:$0x1] =	wrdreg $0xFFFFFFFF  }
0xa8: {  	s28 =	simm.s32 $_size_execute0_lowered;
	s4 =	sadd.s32 s4, s6;
	[dreg:$0x0] =	wrdreg $0x0  }
0xa9: {  	s6 =	sshll.u32 s28, $0x1;
	[dreg:$0x2] =	wrdreg s4  }
0xaa: {  	[dreg:$0x3] =	wrdreg s6  }
0xab: {  	[dreg:$0x4] =	wrdreg $0xC0  }
0xac: {  	_ =	task [dreg:s8], $0x5FFFF  }
0xad: {  	[dreg:$0x1] =	wrdreg $0xFFFFFFFF  }
0xae: {  	[dreg:$0x0] =	wrdreg $0x60  }
0xaf: {  	[dreg:$0x2] =	wrdreg s2  }
0xb0: {  	[dreg:$0x3] =	wrdreg s24  }
0xb1: {  	[dreg:$0x4] =	wrdreg s18  }
0xb2: {  	[dreg:$0x5] =	wrdreg $0xB7800  }
0xb3: {  	[dreg:$0x6] =	wrdreg $0x9  }
0xb4: {  	_ =	task.clear_ibuf [dreg:s8], $0x7FFFF;
	_ =	strace $0x90000046  }
0xb5: {  	s29 =	simm.s32 $0x9;
	_ =	strace $0x80000048  }
0xb6: {  	_ =	swait.ge [sflag:s29], $0x1  }
0xb7: {  	[sflag:s29] =	ssyncadd.s32 $0xFFFFFFFF  }
0xb8: {  	_ =	strace $0x90000048  }
0xb9: {  	_ =	sfence  }
0xba: {  	s30 =	sld [smem:$0x0];
	_ =	sdelay $0x2  }
0xbb: {  	s31 =	sshll.u32 s1, $0xD;
	s1 =	sshrl.u32 s1, $0x2  }
0xbc: {  	s3 =	sand.u32 $0x4000, s31;
	s1 =	sadd.s32 s1, s30  }
0xbd: {  	s0 =	sor.u32 s3, s0;
	s1 =	sshll.u32 s1, $0x11  }
0xbe: {  	s0 =	sor.u32 s1, s0  }
0xbf: {  	s0 =	sadd.s32 $0x8F2B, s0  }
0xc0: {  	[sflag:s0] =	ssyncadd.remote.s32 $0x1  }
0xc1: {  	_ =	sfence.sel $0xFFFF  }
0xc2: {  	[dreg:$0x0] =	wrdreg $0xFFFFFFFF;
	(pc) =	sbr.abs _section_cstart, $3  }
0xc3: {  	[dreg:$0x1] =	wrdreg $0xFFFFFFFF  }
0xc4: {  	_ =	task.clear_ibuf [dreg:s8], $0x2FFFF;
	_ =	strace $0x9FFFFFFF  }
0xc5: {  	(tm) =	ssettm $0x7FFFFFFF  }
tec
execute0_lowered:
.L_overlay_start_1:
0x0: {  	(tag) =	ssettag $0x1  }
0x1: {  	s0 =	rddreg [dreg:$0x0]  }
0x2: {  	s1 =	rddreg [dreg:$0x1]  }
0x3: {  	s10 =	rddreg [dreg:$0x2]  }
0x4: {  	s2 =	srdreg.scid;
	s3 =	rddreg [dreg:$0x3]  }
0x5: {  	s4 =	simm.s32 $0x0;
	s15 =	simm.s32 $0x6780;
	s16 =	simm.s32 $0x3  }
0x6: {  	s17 =	simm.s32 $0x50;
	s18 =	simm.s32 $0x2;
	s19 =	simm.s32 $0x8F80  }
0x7: {  	s20 =	simm.s32 $0x1;
	s21 =	simm.s32 $0x6580;
	s22 =	simm.s32 $0x2780  }
0x8: {  	s23 =	simm.s32 $0x2800;
	s24 =	simm.s32 $0x2880;
	s28 =	simm.s32 $0x0  }
0x9: {  	s5 =	sand.u32 $0x1, s2;
	s2 =	stileid.u32;
	[smem:$0x7FF] =	sst s4  }
0xa: {  	s6 =	sshll.u32 s5, $0x4;
	_ =	strace $0x80000047;
	s8 =	smul.u32 $0x2800, s2  }
0xb: {  	s26 =	ssub.s32 $0x2, s5;
	s29 =	smul.u32 $0x50000, s2;
	s6 =	sor.u32 s2, s6  }
0xc: {  	s5 =	sadd.s32 $0x25600, s1;
	s31 =	sshll.u32 s2, $0x6;
	s7 =	smul.u32 $0x4E2, s6  }
0xd: {  	s13 =	sshrl.u32 s26, $0x1;
	s25 =	sshll.u32 s6, $0xB;
	s11 =	smul.u32 $0x2800, s6  }
0xe: {  	s8 =	sadd.s32 s8, s1;
	s13 =	ssub.s32 s26, s13;
	s30 =	sshrl.u32 s29, $0x2  }
0xf: {  	s26 =	simm.s32 $0x4;
	s12 =	sadd.s32 s25, s1;
	s14 =	sadd.s32 s30, s3  }
0x10: {  	s6 =	sadd.s32 $0x25C00, s8;
	s25 =	simm.s32 $0x2900;
	s9 =	sadd.s32 s7, s1  }
0x11: {  	s1 =	sadd.s32 s11, s1;
	s7 =	sor.u32 $0x1C05, s31;
	s10 =	sadd.s32 s10, s11  }
0x12: {  	s8 =	sadd.s32 $0x1A00, s9;
	s9 =	sadd.s32 $0x15600, s12;
	s11 =	sadd.s32 $0x4DC00, s1  }
0x13: {  	s12 =	smax.u32 s13, $0x1;
	s13 =	sshrl.u32 s14, $0x3;
	s14 =	simm.s32 $0x5  }
.LBB2_1:
0x14: {  	[spmem:s13], [sflag:s7] =	dma.local [hbm:s6], $0x2800  }
0x15: {  	_ =	swait.ge [sflag:s14], $0x2800  }
0x16: {  	[sflag:s14] =	ssyncset.done $0x0  }
0x17: {  	[sflag:s14] =	ssyncadd.s32 $0xFFFFD800  }
0x18: {  	[bflag:$0x0] =	sbarrier.arrive $0xFFFF  }
0x19: {  	[tilespmem:s4], [sflag:$0x5] =	stream.linear.gather [hbm4b:s8+s4], $0x2710, $0x38;
	[tilespmem:$0x1F780] =	vst v63  }
0x1a: {  	_ =	swait.ge [sflag:s14], $0x2710  }
0x1b: {  	[sflag:s14] =	ssyncset.done $0x0  }
0x1c: {  	[sflag:s14] =	ssyncadd.s32 $0xFFFFD8F0  }
0x1d: {  	[tilespmem:s22], [sflag:$0x5] =	stream.linear.gather [hbm4b:s9+s4], $0x3E80, $0x38;
	[tilespmem:$0x1F780] =	vst v63  }
.Ltmp0:
0x1e: {  	_ = 	snop;
	(pc) =	sbr.rel .LBB2_2-.Ltmp0, $4  }
0x1f: {  	_ =	swait.ge [sflag:s14], $0x3E80  }
0x20: {  	s29 =	simm.s32 $0x50;
	[sflag:s14] =	ssyncset.done $0x0  }
0x21: {  	s30 =	simm.s32 $0x2780;
	s31 =	simm.s32 $0x0;
	[sflag:s14] =	ssyncadd.s32 $0xFFFFC180  }
0x22: {  	[tilespmem:s15], [sflag:$0x1] =	stream.indirect.gather [hbm4b:s0+s17], $0x80, s4, s17, $0xb8;
	[tilespmem:$0x1F780] =	vst v63  }
.LBB2_8:
0x23: {  	_ =	swait.ge [sflag:s16], $0x2800  }
0x24: {  	[sflag:s16] =	ssyncset.done $0x0  }
0x25: {  	[sflag:s16] =	ssyncadd.s32 $0xFFFFD800  }
0x26: {  	[tilespmem:s15], [sflag:$0x1] =	stream.indirect.gather [hbm4b:s0+s17], $0x80, s29, s17, $0xb8;
	[tilespmem:$0x1F780] =	vst v63  }
0x27: {  	_ =	swait.ge [sflag:s18], $0x2800  }
0x28: {  	[sflag:s18] =	ssyncset.done $0x0  }
0x29: {  	[sflag:s18] =	ssyncadd.s32 $0xFFFFD800  }
0x2a: {  	[spmem:s3] =	stream.indirect.scatter.add.f32 [tilespmem:s19], [sflag:$0x4], $0x80, s30, s17, $0xb8;
	[tilespmem:$0x1F780] =	vst v63  }
.LBB2_9:
0x2b: {  	s31 =	sadd.s32 $0x1, s31  }
0x2c: {  	p0 =	sne.s32 s31, $0x7C  }
.Ltmp1:
0x2d: {  	_ = 	snop;
	(pc) =	sbr.rel @!p0 .LBB2_10-.Ltmp1, $2  }
0x2e: {  	_ =	sdelay $0x2  }
0x2f: {  	s30 =	sadd.s32 $0x80, s30;
	s29 =	sadd.s32 $0x50, s29  }
.LBB2_2:
0x30: {  	s1 =	sand.u32 $0x1, s31  }
0x31: {  	p0 =	seq.s32 s1, $0x1  }
.Ltmp2:
0x32: {  	_ = 	snop;
	(pc) =	sbr.rel @p0 .LBB2_8-.Ltmp2, $1  }
0x33: {  	_ =	sdelay $0x3  }
0x34: {  	p0 =	seq.s32 s31, $0x0  }
.Ltmp3:
0x35: {  	_ = 	snop;
	(pc) =	sbr.rel @p0 .LBB2_6-.Ltmp3, $1  }
0x36: {  	_ =	sdelay $0x3  }
0x37: {  	p0 =	seq.s32 s31, $0x7C  }
.Ltmp4:
0x38: {  	_ = 	snop;
	(pc) =	sbr.rel @p0 .LBB2_7-.Ltmp4, $1  }
0x39: {  	_ =	sdelay $0x3  }
0x3a: {  	_ =	swait.ge [sflag:s26], $0x2800  }
0x3b: {  	[sflag:s26] =	ssyncset.done $0x0  }
0x3c: {  	[sflag:s26] =	ssyncadd.s32 $0xFFFFD800  }
.LBB2_6:
0x3d: {  	[tilespmem:s19], [sflag:$0x2] =	stream.indirect.gather [hbm4b:s0+s17], $0x80, s29, s17, $0xb8;
	[tilespmem:$0x1F780] =	vst v63  }
.LBB2_7:
0x3e: {  	p0 =	seq.s32 s1, $0x0  }
.Ltmp5:
0x3f: {  	_ = 	snop;
	(pc) =	sbr.rel @p0 .LBB2_9-.Ltmp5, $4  }
.Ltmp6:
0x40: {  	_ =	swait.ge [sflag:s20], $0x2800;
	(pc) =	sbr.rel @!p0 .LBB2_8-.Ltmp6, $4  }
0x41: {  	[sflag:s20] =	ssyncset.done $0x0  }
0x42: {  	[sflag:s20] =	ssyncadd.s32 $0xFFFFD800  }
0x43: {  	[spmem:s3] =	stream.indirect.scatter.add.f32 [tilespmem:s15], [sflag:$0x3], $0x80, s30, s17, $0xb8;
	[tilespmem:$0x1F780] =	vst v63  }
0x44: {  	_ = 	snop  }
.LBB2_10:
0x45: {  	_ =	swait.ge [sflag:s20], $0x2800  }
0x46: {  	[sflag:s20] =	ssyncset.done $0x0  }
0x47: {  	[sflag:s20] =	ssyncadd.s32 $0xFFFFD800  }
0x48: {  	[spmem:s3] =	stream.indirect.scatter.add.f32 [tilespmem:s15], [sflag:$0x3], $0x80, s21, s17, $0xb8;
	[tilespmem:$0x1F780] =	vst v63  }
0x49: {  	_ =	swait.ge [sflag:s16], $0x2800  }
0x4a: {  	[sflag:s16] =	ssyncset.done $0x0  }
0x4b: {  	s1 =	simm.s32 $0x4;
	[sflag:s16] =	ssyncadd.s32 $0xFFFFD800  }
0x4c: {  	_ =	swait.ge [sflag:s1], $0x2800  }
0x4d: {  	[sflag:s1] =	ssyncset.done $0x0  }
0x4e: {  	[sflag:s1] =	ssyncadd.s32 $0xFFFFD800  }
0x4f: {  	[bflag:$0x0] =	sbarrier.arrive $0xFFFF  }
0x50: {  	[hbm:s10], [sflag:s7] =	dma.local [spmem:s13], $0x2800  }
0x51: {  	_ =	swait.ge [sflag:s14], $0x2800  }
0x52: {  	[sflag:s14] =	ssyncset.done $0x0  }
0x53: {  	[sflag:s14] =	ssyncadd.s32 $0xFFFFD800  }
0x54: {  	[bflag:$0x0] =	sbarrier.arrive $0xFFFF  }
0x55: {  	[spmem:s13], [sflag:s7] =	dma.local [hbm:s6], $0x2800  }
0x56: {  	_ =	swait.ge [sflag:s14], $0x2800  }
0x57: {  	[sflag:s14] =	ssyncset.done $0x0  }
0x58: {  	[sflag:s14] =	ssyncadd.s32 $0xFFFFD800  }
0x59: {  	[tilespmem:s15], [sflag:$0x5] =	stream.linear.gather [hbm4b:s5+s4], $0x2800, $0x38;
	[tilespmem:$0x1F780] =	vst v63  }
0x5a: {  	_ =	swait.ge [sflag:s14], $0x2800  }
0x5b: {  	[sflag:s14] =	ssyncset.done $0x0  }
0x5c: {  	[sflag:s14] =	ssyncadd.s32 $0xFFFFD800  }
0x5d: {  	[bflag:$0x0] =	sbarrier.arrive $0xFFFF  }
0x5e: {  	[spmem:s3] =	stream.indirect.scatter.add.f32 [tilespmem:s15], [sflag:$0x3], $0x80, s22, s17, $0xb8;
	[tilespmem:$0x1F780] =	vst v63  }
0x5f: {  	s1 =	sand.u32 $0x1, s1  }
0x60: {  	[spmem:s3] =	stream.indirect.scatter.add.f32 [tilespmem:s15], [sflag:$0x4], $0x80, s23, s17, $0xb8;
	[tilespmem:$0x1F780] =	vst v63  }
0x61: {  	p0 =	seq.s32 s1, $0x1;
	s1 =	simm.s32 $0x4  }
0x62: {  	[spmem:s3] =	stream.indirect.scatter.add.f32 [tilespmem:s15], [sflag:$0x3], $0x80, s24, s17, $0xb8;
	[tilespmem:$0x1F780] =	vst v63  }
0x63: {  	s30 =	simm.s32 $0x5;
	s1 =	simm.s32 @!p0 $0x3  }
0x64: {  	[spmem:s3] =	stream.indirect.scatter.add.f32 [tilespmem:s15], [sflag:$0x4], $0x80, s25, s17, $0xb8;
	[tilespmem:$0x1F780] =	vst v63  }
0x65: {  	s30 =	sand.u32 $0x1, s30;
	_ =	swait.ge [sflag:s1], $0x2800  }
0x66: {  	p0 =	seq.s32 s30, $0x1;
	s30 =	simm.s32 $0x4;
	[sflag:s1] =	ssyncset.done $0x0  }
0x67: {  	s29 =	simm.s32 $0x2980;
	s30 =	simm.s32 @!p0 $0x3;
	[sflag:s1] =	ssyncadd.s32 $0xFFFFD800  }
0x68: {  	[spmem:s3] =	stream.indirect.scatter.add.f32 [tilespmem:s15], [sflag:s1], $0x80, s29, s17, $0xb8;
	[tilespmem:$0x1F780] =	vst v63  }
0x69: {  	s1 =	simm.s32 $0x6;
	_ =	swait.ge [sflag:s30], $0x2800  }
.LBB2_11:
0x6a: {  	s31 =	sand.u32 $0x1, s1  }
0x6b: {  	p0 =	seq.s32 s31, $0x1;
	s31 =	simm.s32 $0x4  }
0x6c: {  	s31 =	simm.s32 @!p0 $0x3;
	p0 =	sne.s32 s1, $0x7C  }
.Ltmp7:
0x6d: {  	[sflag:s30] =	ssyncset.done $0x0;
	(pc) =	sbr.rel @p0 .LBB2_11-.Ltmp7, $4  }
0x6e: {  	s29 =	sadd.s32 $0x80, s29;
	[sflag:s30] =	ssyncadd.s32 $0xFFFFD800  }
0x6f: {  	[spmem:s3] =	stream.indirect.scatter.add.f32 [tilespmem:s15], [sflag:s30], $0x80, s29, s17, $0xb8;
	[tilespmem:$0x1F780] =	vst v63  }
0x70: {  	s30 =	smov.u32 s31;
	_ =	swait.ge [sflag:s31], $0x2800  }
0x71: {  	s1 =	sadd.s32 $0x1, s1  }
0x72: {  	[sflag:s30] =	ssyncset.done $0x0  }
0x73: {  	s1 =	sadd.s32 $0x80, s29;
	[sflag:s30] =	ssyncadd.s32 $0xFFFFD800  }
0x74: {  	[spmem:s3] =	stream.indirect.scatter.add.f32 [tilespmem:s15], [sflag:s30], $0x80, s1, s17, $0xb8;
	[tilespmem:$0x1F780] =	vst v63  }
0x75: {  	_ =	swait.ge [sflag:s16], $0x2800  }
0x76: {  	[sflag:s16] =	ssyncset.done $0x0  }
0x77: {  	[sflag:s16] =	ssyncadd.s32 $0xFFFFD800  }
0x78: {  	_ =	swait.ge [sflag:s16], $0x2800  }
0x79: {  	[sflag:s16] =	ssyncset.done $0x0  }
0x7a: {  	[sflag:s16] =	ssyncadd.s32 $0xFFFFD800  }
0x7b: {  	_ =	swait.ge [sflag:s26], $0x2800  }
0x7c: {  	[sflag:s26] =	ssyncset.done $0x0  }
0x7d: {  	[sflag:s26] =	ssyncadd.s32 $0xFFFFD800  }
0x7e: {  	_ =	swait.ge [sflag:s26], $0x2800  }
0x7f: {  	s28 =	sadd.s32 $0x1, s28;
	[sflag:s26] =	ssyncset.done $0x0  }
0x80: {  	p0 =	sne.s32 s28, s12;
	[sflag:s26] =	ssyncadd.s32 $0xFFFFD800  }
.Ltmp8:
0x81: {  	[bflag:$0x0] =	sbarrier.arrive $0xFFFF;
	(pc) =	sbr.rel @p0 .LBB2_1-.Ltmp8, $4  }
0x82: {  	[hbm:s11], [sflag:s7] =	dma.local [spmem:s13], $0x2800  }
0x83: {  	_ =	swait.ge [sflag:s14], $0x2800  }
0x84: {  	[sflag:s14] =	ssyncset.done $0x0  }
0x85: {  	[sflag:s14] =	ssyncadd.s32 $0xFFFFD800  }
0x86: {  	_ =	sfence.sel $0x180000  }
0x87: {  	[bflag:$0x0] =	sbarrier.arrive $0xFFFF  }
0x88: {  	_ =	strace $0x90000047  }
0x89: {  	[bflag:$0x2] =	sbarrier.arrive $0xFFFF  }
0x8a: {  	p0 =	sne.s32 s2, $0x0;
	s0 =	rddreg [dreg:$0x4]  }
0x8b: {  	s0 =	sadd.s32 @!p0 $0x100000, s0  }
0x8c: {  	[sflag:s0] =	ssyncadd.tile.s32 @!p0 $0x1;
	_ =	shalt  }
.Lfunc_end2:
_tile_overlayer_lowered:
.L_overlay_start_2:
0x8d: {  	(tag) =	ssettag $0x2  }
0x8e: {  	s0 =	rddreg [dreg:$0x0];
	s2 =	stileid.u32  }
0x8f: {  	s1 =	rddreg [dreg:$0x1];
	p0 =	sne.s32 s2, $0x0  }
0x90: {  	s3 =	rddreg [dreg:$0x2];
	[bflag:$0x3] =	sbarrier.arrive $0xFFFF;
	s2 =	simm.s32 @!p0 $0x1C05  }
0x91: {  	[timem:s3], [sflag:s2] =	dma.local @!p0 [hbm:s0], s1  }
0x92: {  	s0 =	simm.s32 @!p0 $0x5  }
0x93: {  	_ =	swait.ge @!p0 [sflag:s0], s1  }
0x94: {  	s1 =	ssub.s32 @!p0 $0x0, s1;
	[sflag:s0] =	ssyncset.done @!p0 $0x0  }
0x95: {  	[sflag:s0] =	ssyncadd.s32 @!p0 s1  }
0x96: {  	[bflag:$0x3] =	sbarrier.arrive $0xFFFF  }
0x97: {  	_ =	shalt  }

// kernel: _run.8.cloned.1.call-start
scs
__scs_entry_jumppad:
0x0: {  	(pc) =	sbr.rel $0x88, $3  }
0x1: {  	(tag) =	ssettag $0x0;
	lr =	simm.s32 $0x1  }
0x2: {  	[smem:$0x3F9B] =	sst lr;
	_ =	strace $0xD0000000  }
0x3: {  	_ = 	snop  }
0x4: {  	_ = 	snop  }
0x5: {  	_ = 	snop  }
0x6: {  	_ = 	snop  }
0x7: {  	_ = 	snop  }
__scs_overlays_trampoline_lowered:
0x8: {  	[smem:$0x3FAA] =	sst s0  }
0x9: {  	[smem:$0x3FAB] =	sst s1  }
0xa: {  	[smem:$0x3FAC] =	sst s2  }
0xb: {  	[smem:$0x3FAD] =	sst s3  }
0xc: {  	[smem:$0x3FAE] =	sst s4  }
0xd: {  	[smem:$0x3FAF] =	sst s5  }
0xe: {  	[smem:$0x3FB0] =	sst s6  }
0xf: {  	[smem:$0x3FB1] =	sst s7  }
0x10: {  	[smem:$0x3FB2] =	sst s8  }
0x11: {  	[smem:$0x3FB3] =	sst s9;
	s0 =	simm.s32 @!p0 $0x0  }
0x12: {  	s1 =	sld [smem:$0x3F99];
	s0 =	simm.s32 @p0 $0x1  }
0x13: {  	[smem:$0x3FB4] =	sst s0;
	s0 =	simm.s32 @!p1 $0x0  }
0x14: {  	s2 =	sld [smem:$0x3F98];
	s0 =	simm.s32 @p1 $0x1  }
0x15: {  	[smem:$0x3FB5] =	sst s0;
	s0 =	simm.s32 @!p2 $0x0  }
0x16: {  	s3 =	sld [smem:$0x3FDB];
	s0 =	simm.s32 @p2 $0x1  }
0x17: {  	s4 =	simm.s32 $0x1BF5;
	[smem:$0x3FB7] =	sst s0  }
0x18: {  	s0 =	sld [smem:$0x3F9A];
	_ =	swait.ge [sflag:s4], $0x0  }
0x19: {  	s7 =	sld [smem:$0x3F9B]  }
0x1a: {  	s8 =	sadd.s32 $0xFFFFE003, lr  }
0x1b: {  	s9 =	sadd.s32 $0xFFFFFEF7, lr;
	s5 =	simm.s32 $0xFFFFFFFF;
	p2 =	slt.u32 s8, $0xFFFFF086  }
0x1c: {  	p1 =	slt.u32 s9, $0xF7A;
	s5 =	simm.s32 @!p2 $0x0  }
0x1d: {  	s5 =	simm.s32 @p1 $0x1;
	p0 =	seq.s32 s7, s2  }
0x1e: {  	s7 =	smul.u32 @!p0 $0xF7A, s2;
	p2 =	seq.s32 @!p0 s5, $0x0  }
0x1f: {  	s9 =	smul.u32 $0xF7A, s1;
	s8 =	simm.s32 @!p0 $0x1BF5;
	p2 =	por !p2, p0  }
0x20: {  	[sflag:s8] =	ssyncset.s32 @!p0 $0xFFFFF086;
	s6 =	sadd.s32 @!p0 s3, s7;
	s7 =	simm.s32 @!p0 $0x108  }
0x21: {  	s3 =	sadd.s32 s3, s9;
	s6 =	sadd.s32 @!p0 $0x88, s6;
	s7 =	simm.s32 @p2 $0x1082  }
0x22: {  	[simem:s7], [sflag:s8] =	dma.local @!p0 [hbm:s6], $0xF7A  }
0x23: {  	s9 =	sor.u32 $0xD0000000, s2;
	s6 =	simm.s32 $0x108;
	_ =	swait.ge @!p0 [sflag:s8], $0x0  }
0x24: {  	s3 =	sadd.s32 $0x88, s3;
	s6 =	simm.s32 @!p1 $0x1082;
	[sflag:s4] =	ssyncset.s32 $0xFFFFF086  }
0x25: {  	[simem:s6], [sflag:s4] =	dma.local [hbm:s3], $0xF7A  }
0x26: {  	[smem:$0x3F9B] =	sst s1;
	(tag) =	ssettag s2;
	_ =	strace s9  }
0x27: {  	s1 =	sld [smem:$0x3FAB]  }
0x28: {  	s2 =	sld [smem:$0x3FAC]  }
0x29: {  	s4 =	sld [smem:$0x3FAE]  }
0x2a: {  	p0 =	seq.s32 s5, $0x0;
	s5 =	sld [smem:$0x3FAF]  }
0x2b: {  	s6 =	sld [smem:$0x3FB0]  }
0x2c: {  	s7 =	sld [smem:$0x3FB1]  }
0x2d: {  	s3 =	simm.s32 $0x108;
	s8 =	sld [smem:$0x3FB2]  }
0x2e: {  	s3 =	simm.s32 @!p0 $0x1082;
	s9 =	sld [smem:$0x3FB3]  }
0x2f: {  	lr =	sadd.s32 s0, s3;
	s0 =	sld [smem:$0x3FAA]  }
0x30: {  	s3 =	sld [smem:$0x3FAD]  }
0x31: {  	[smem:$0x3FB6] =	sst s10  }
0x32: {  	s10 =	sld [smem:$0x3FB4];
	_ =	sdelay $0x3  }
0x33: {  	p0 =	seq.s32 s10, $0x1;
	s10 =	sld [smem:$0x3FB6];
	_ =	sdelay $0x3  }
0x34: {  	[smem:$0x3FB6] =	sst s10  }
0x35: {  	s10 =	sld [smem:$0x3FB5];
	_ =	sdelay $0x3  }
0x36: {  	p1 =	seq.s32 s10, $0x1;
	s10 =	sld [smem:$0x3FB6];
	_ =	sdelay $0x3  }
0x37: {  	[smem:$0x3FB6] =	sst s10  }
0x38: {  	s10 =	sld [smem:$0x3FB7]  }
0x39: {  	_ = 	snop;
	(pc) =	sbr.ind lr, $3  }
0x3a: {  	_ = 	snop  }
0x3b: {  	_ = 	snop  }
0x3c: {  	p2 =	seq.s32 s10, $0x1;
	s10 =	sld [smem:$0x3FB6]  }
0x3d: {  	_ =	shalt  }
0x3e: {  	_ =	shalt  }
0x3f: {  	_ =	shalt  }
0x40: {  	_ =	shalt  }
0x41: {  	_ =	shalt  }
0x42: {  	_ =	shalt  }
0x43: {  	_ =	shalt  }
0x44: {  	_ =	shalt  }
0x45: {  	_ =	shalt  }
0x46: {  	_ =	shalt  }
0x47: {  	_ =	shalt  }
0x48: {  	_ =	shalt  }
0x49: {  	_ =	shalt  }
0x4a: {  	_ =	shalt  }
0x4b: {  	_ =	shalt  }
0x4c: {  	_ =	shalt  }
0x4d: {  	_ =	shalt  }
0x4e: {  	_ =	shalt  }
0x4f: {  	_ =	shalt  }
0x50: {  	_ =	shalt  }
0x51: {  	_ =	shalt  }
0x52: {  	_ =	shalt  }
0x53: {  	_ =	shalt  }
0x54: {  	_ =	shalt  }
0x55: {  	_ =	shalt  }
0x56: {  	_ =	shalt  }
0x57: {  	_ =	shalt  }
0x58: {  	_ =	shalt  }
0x59: {  	_ =	shalt  }
0x5a: {  	_ =	shalt  }
0x5b: {  	_ =	shalt  }
0x5c: {  	_ =	shalt  }
0x5d: {  	_ =	shalt  }
0x5e: {  	_ =	shalt  }
0x5f: {  	_ =	shalt  }
0x60: {  	_ =	shalt  }
0x61: {  	_ =	shalt  }
0x62: {  	_ =	shalt  }
0x63: {  	_ =	shalt  }
0x64: {  	_ =	shalt  }
0x65: {  	_ =	shalt  }
0x66: {  	_ =	shalt  }
0x67: {  	_ =	shalt  }
0x68: {  	_ =	shalt  }
0x69: {  	_ =	shalt  }
0x6a: {  	_ =	shalt  }
0x6b: {  	_ =	shalt  }
0x6c: {  	_ =	shalt  }
0x6d: {  	_ =	shalt  }
0x6e: {  	_ =	shalt  }
0x6f: {  	_ =	shalt  }
0x70: {  	_ =	shalt  }
0x71: {  	_ =	shalt  }
0x72: {  	_ =	shalt  }
0x73: {  	_ =	shalt  }
0x74: {  	_ =	shalt  }
0x75: {  	_ =	shalt  }
0x76: {  	_ =	shalt  }
0x77: {  	_ =	shalt  }
0x78: {  	_ =	shalt  }
0x79: {  	_ =	shalt  }
0x7a: {  	_ =	shalt  }
0x7b: {  	_ =	shalt  }
0x7c: {  	_ =	shalt  }
0x7d: {  	_ =	shalt  }
0x7e: {  	_ =	shalt  }
0x7f: {  	_ =	shalt  }
0x80: {  	_ =	shalt  }
0x81: {  	_ =	shalt  }
0x82: {  	_ =	shalt  }
0x83: {  	_ =	shalt  }
0x84: {  	_ =	shalt  }
0x85: {  	_ =	shalt  }
0x86: {  	_ =	shalt  }
0x87: {  	_ =	shalt  }
.Lfunc_end0:
.L_simem_size_0:
called_computation.1_lowered:
.L_overlay_start_0:
0x88: {  	s2 =	sld [smem:$0x3FD9]  }
0x89: {  	s3 =	sld [smem:$0x3FFE];
	_ =	sdelay $0x1  }
0x8a: {  	s1 =	srdreg.scid  }
0x8b: {  	s0 =	sand.u32 $0x1, s1  }
0x8c: {  	s17 =	sshll.u32 s0, $0xA;
	s2 =	sadd.s32 s3, s2  }
0x8d: {  	s2 =	sadd.s32 s2, s17  }
0x8e: {  	[smem:$0x3FC2] =	sst s2  }
0x8f: {  	_ = 	snop  }
0x90: {  	s2 =	sld [smem:$0x3FD0];
	(tm) =	ssettm $0x1  }
0x91: {  	s18 =	sld [smem:$0x3FFB];
	_ =	sdelay $0x3  }
0x92: {  	_ =	strace s18  }
0x93: {  	s3 =	sld [smem:$0x3FFC];
	_ =	sdelay $0x3  }
0x94: {  	_ =	strace s3  }
0x95: {  	s3 =	sld [smem:$0x3FFD];
	_ =	sdelay $0x3  }
0x96: {  	_ =	strace s3  }
0x97: {  	_ =	strace $0x8FFFFFFF  }
0x98: {  	s19 =	sld [smem:$0x3FDB];
	_ =	sdelay $0x1  }
0x99: {  	s4 =	simm.s32 $_scs_section_size  }
0x9a: {  	s5 =	simm.s32 $_size__tile_overlayer_lowered;
	s6 =	simm.s32 $_tile_overlayer_lowered  }
0x9b: {  	s22 =	simm.s32 $0x1BFF;
	s21 =	sshll.u32 s6, $0x1;
	s3 =	sadd.s32 s4, s19  }
0x9c: {  	s7 =	simm.s32 $0x0;
	s20 =	sshll.u32 s5, $0x1;
	s5 =	sadd.s32 s21, s3  }
0x9d: {  	[timem:s7], [sflag:s22] =	dma.local [hbm:s5], s20  }
0x9e: {  	_ =	swait.ge [sflag:s22], s20  }
0x9f: {  	s4 =	ssub.s32 $0x0, s20;
	[sflag:s22] =	ssyncset.done $0x0  }
0xa0: {  	[sflag:s22] =	ssyncadd.s32 s4;
	_ =	sdelay $0x1  }
0xa1: {  	s23 =	simm.s32 $0x1B8B  }
0xa2: {  	_ =	swait.ge [sflag:s23], $0x1  }
0xa3: {  	[sflag:s23] =	ssyncset.done $0x0  }
0xa4: {  	s25 =	simm.s32 $0x1B8E;
	s24 =	sld [smem:$0x3FFE];
	[sflag:s23] =	ssyncadd.s32 $0xFFFFFFFF  }
0xa5: {  	s26 =	simm.s32 $execute0_lowered;
	[smem:$0x3FD2] =	sst s25  }
0xa6: {  	s5 =	sshll.u32 s26, $0x1;
	_ =	strace $0x80000049;
	[dreg:$0x1] =	wrdreg $0xFFFFFFFF  }
0xa7: {  	s28 =	simm.s32 $_size_execute0_lowered;
	s3 =	sadd.s32 s3, s5;
	[dreg:$0x0] =	wrdreg $0x0  }
0xa8: {  	s5 =	sshll.u32 s28, $0x1;
	[dreg:$0x2] =	wrdreg s3  }
0xa9: {  	[dreg:$0x3] =	wrdreg s5  }
0xaa: {  	[dreg:$0x4] =	wrdreg $0xC0  }
0xab: {  	_ =	task [dreg:s7], $0x5FFFF  }
0xac: {  	[dreg:$0x1] =	wrdreg $0xFFFFFFFF  }
0xad: {  	[dreg:$0x0] =	wrdreg $0x60  }
0xae: {  	[dreg:$0x2] =	wrdreg s24  }
0xaf: {  	[dreg:$0x3] =	wrdreg s2  }
0xb0: {  	[dreg:$0x4] =	wrdreg $0x9  }
0xb1: {  	_ =	task.clear_ibuf [dreg:s7], $0x5FFFF;
	_ =	strace $0x90000049  }
0xb2: {  	s29 =	simm.s32 $0x9;
	_ =	strace $0x8000004B  }
0xb3: {  	_ =	swait.ge [sflag:s29], $0x1  }
0xb4: {  	[sflag:s29] =	ssyncadd.s32 $0xFFFFFFFF  }
0xb5: {  	_ =	strace $0x9000004B  }
0xb6: {  	_ =	sfence  }
0xb7: {  	s30 =	sld [smem:$0x0];
	_ =	sdelay $0x2  }
0xb8: {  	s31 =	sshll.u32 s1, $0xD;
	s1 =	sshrl.u32 s1, $0x2  }
0xb9: {  	s3 =	sand.u32 $0x4000, s31;
	s1 =	sadd.s32 s1, s30  }
0xba: {  	s0 =	sor.u32 s3, s0;
	s1 =	sshll.u32 s1, $0x11  }
0xbb: {  	s0 =	sor.u32 s1, s0  }
0xbc: {  	s0 =	sadd.s32 $0x8F2B, s0  }
0xbd: {  	[sflag:s0] =	ssyncadd.remote.s32 $0x1  }
0xbe: {  	_ =	sfence.sel $0xFFFF  }
0xbf: {  	[dreg:$0x0] =	wrdreg $0xFFFFFFFF;
	(pc) =	sbr.abs _section_cstart, $3  }
0xc0: {  	[dreg:$0x1] =	wrdreg $0xFFFFFFFF  }
0xc1: {  	_ =	task.clear_ibuf [dreg:s7], $0x2FFFF;
	_ =	strace $0x9FFFFFFF  }
0xc2: {  	(tm) =	ssettm $0x7FFFFFFF  }
0xc3: {  	_ =	shalt  }
tec
execute0_lowered:
.L_overlay_start_1:
0x0: {  	(tag) =	ssettag $0x1  }
0x1: {  	s6 =	rddreg [dreg:$0x0]  }
0x2: {  	s0 =	srdreg.scid;
	s2 =	rddreg [dreg:$0x1]  }
0x3: {  	s3 =	simm.s32 $0x0;
	s10 =	simm.s32 $0x2780;
	s11 =	simm.s32 $0x50  }
0x4: {  	s12 =	simm.s32 $0x4F00;
	s13 =	simm.s32 $0xC700;
	s14 =	simm.s32 $0x7700  }
0x5: {  	s15 =	simm.s32 $0x27D0;
	s16 =	simm.s32 $0xEF00;
	s17 =	simm.s32 $0x3  }
0x6: {  	s18 =	simm.s32 $0x18F00;
	s19 =	simm.s32 $0x4;
	s5 =	sand.u32 $0x1, s0  }
0x7: {  	s20 =	simm.s32 $0x5;
	s0 =	stileid.u32;
	s1 =	sshll.u32 s5, $0x4  }
0x8: {  	s21 =	simm.s32 $0x6;
	s22 =	simm.s32 $0x2;
	s4 =	sor.u32 s0, s1  }
0x9: {  	s23 =	simm.s32 $0x16700;
	s24 =	simm.s32 $0x1;
	s4 =	smul.u32 $0x2710, s4  }
.Ltmp0:
0xa: {  	s25 =	simm.s32 $0x13F00;
	s26 =	simm.s32 $0x0;
	(pc) =	sbr.rel .LBB2_1-.Ltmp0, $4  }
0xb: {  	[smem:$0x7FF] =	sst s3;
	s7 =	ssub.s32 $0x2, s5;
	s8 =	sshrl.u32 s4, $0x3  }
0xc: {  	_ =	strace $0x8000004A;
	s9 =	sshrl.u32 s7, $0x1;
	s8 =	sadd.s32 s8, s6  }
0xd: {  	s5 =	sadd.s32 $0x15600, s6;
	s9 =	ssub.s32 s7, s9;
	s6 =	sadd.s32 $0x1A00, s8  }
0xe: {  	s7 =	sadd.s32 $0xB800, s8;
	s8 =	smax.u32 s9, $0x1;
	s9 =	simm.s32 $0x7  }
.LBB2_14:
0xf: {  	_ =	swait.ge [sflag:s19], $0x2800  }
0x10: {  	[sflag:s19] =	ssyncset.done $0x0  }
0x11: {  	s26 =	sadd.s32 $0x1, s26;
	[sflag:s19] =	ssyncadd.s32 $0xFFFFD800  }
0x12: {  	p0 =	sne.s32 s26, s8;
	_ =	swait.ge [sflag:s20], $0x2800  }
.Ltmp1:
0x13: {  	[sflag:s20] =	ssyncset.done $0x0;
	(pc) =	sbr.rel @!p0 .LBB2_15-.Ltmp1, $4  }
0x14: {  	[sflag:s20] =	ssyncadd.s32 $0xFFFFD800  }
0x15: {  	_ =	swait.ge [sflag:s21], $0x2800  }
0x16: {  	[sflag:s21] =	ssyncset.done $0x0  }
0x17: {  	[sflag:s21] =	ssyncadd.s32 $0xFFFFD800  }
.LBB2_1:
0x18: {  	[tilespmem:s3], [sflag:$0x7] =	stream.linear.gather [hbm4b:s6+s3], $0x2710, $0x38;
	[tilespmem:$0x1B700] =	vst v63  }
0x19: {  	_ =	swait.ge [sflag:s9], $0x2710  }
0x1a: {  	[sflag:s9] =	ssyncset.done $0x0  }
0x1b: {  	[sflag:s9] =	ssyncadd.s32 $0xFFFFD8F0  }
0x1c: {  	[tilespmem:s10], [sflag:$0x7] =	stream.linear.gather [hbm4b:s7+s3], $0x2710, $0x38;
	[tilespmem:$0x1B700] =	vst v63  }
0x1d: {  	_ =	swait.ge [sflag:s9], $0x2710  }
0x1e: {  	[sflag:s9] =	ssyncset.done $0x0  }
0x1f: {  	[sflag:s9] =	ssyncadd.s32 $0xFFFFD8F0  }
0x20: {  	[tilespmem:s12], [sflag:$0x1] =	stream.indirect.gather [hbm4b:s5+s11], $0x80, s3, s11, $0xb8;
	[tilespmem:$0x1B700] =	vst v63  }
0x21: {  	_ = 	snop  }
0x22: {  	[tilespmem:s13], [sflag:$0x1] =	stream.indirect.gather [hbm4b:s5+s11], $0x80, s10, s11, $0xb8;
	[tilespmem:$0x1B700] =	vst v63  }
.Ltmp2:
0x23: {  	_ = 	snop;
	(pc) =	sbr.rel .LBB2_2-.Ltmp2, $4  }
0x24: {  	_ = 	snop  }
0x25: {  	[tilespmem:s14], [sflag:$0x2] =	stream.indirect.gather [hbm4b:s5+s11], $0x80, s11, s11, $0xb8;
	[tilespmem:$0x1B700] =	vst v63  }
0x26: {  	s28 =	simm.s32 $0x0  }
0x27: {  	[tilespmem:s16], [sflag:$0x2] =	stream.indirect.gather [hbm4b:s5+s11], $0x80, s15, s11, $0xb8;
	[tilespmem:$0x1B700] =	vst v63  }
.LBB2_13:
0x28: {  	s28 =	sadd.s32 $0x1, s28  }
0x29: {  	p0 =	sne.s32 s28, $0x7D  }
.Ltmp3:
0x2a: {  	_ = 	snop;
	(pc) =	sbr.rel @!p0 .LBB2_14-.Ltmp3, $1  }
0x2b: {  	_ =	sdelay $0x3  }
.LBB2_2:
0x2c: {  	s29 =	smul.u32 $0xAB, s28;
	_ =	sdelay $0x1  }
0x2d: {  	s29 =	sshrl.u32 s29, $0x9  }
0x2e: {  	s29 =	sand.u32 $0x7F, s29  }
0x2f: {  	s29 =	smul.u32 $0x3, s29;
	_ =	sdelay $0x1  }
0x30: {  	s29 =	ssub.s32 s28, s29  }
0x31: {  	s29 =	sand.u32 $0xFF, s29  }
0x32: {  	p1 =	seq.s32 s29, $0x2  }
.Ltmp4:
0x33: {  	_ = 	snop;
	(pc) =	sbr.rel @p1 .LBB2_10-.Ltmp4, $2  }
0x34: {  	_ =	sdelay $0x2  }
0x35: {  	p0 =	sgt.u32 s28, $0x7A  }
0x36: {  	p1 =	seq.s32 s29, $0x1  }
.Ltmp5:
0x37: {  	_ = 	snop;
	(pc) =	sbr.rel @!p1 .LBB2_4-.Ltmp5, $2  }
0x38: {  	_ =	sdelay $0x2  }
0x39: {  	s29 =	smul.u32 @!p0 $0x50, s28  }
0x3a: {  	_ = 	snop  }
0x3b: {  	s30 =	simm.s32 @!p0 $0x50;
	s31 =	simm.s32 @!p0 $0x4F00;
	s1 =	sadd.s32 @!p0 $0xA0, s29  }
0x3c: {  	[tilespmem:s31], [sflag:$0x1] =	stream.indirect.gather @!p0 [hbm4b:s5+s30], $0x80, s1, s30, $0xb8;
	[tilespmem:$0x1B700] =	vst v63  }
0x3d: {  	s1 =	sadd.s32 @!p0 $0x2820, s29;
	s29 =	simm.s32 @!p0 $0xC700  }
0x3e: {  	[tilespmem:s29], [sflag:$0x1] =	stream.indirect.gather @!p0 [hbm4b:s5+s30], $0x80, s1, s30, $0xb8;
	[tilespmem:$0x1B700] =	vst v63  }
0x3f: {  	_ =	swait.ge [sflag:s22], $0x2800  }
0x40: {  	[sflag:s22] =	ssyncset.done $0x0  }
0x41: {  	[sflag:s22] =	ssyncadd.s32 $0xFFFFD800  }
0x42: {  	_ =	swait.ge [sflag:s22], $0x2800  }
0x43: {  	p0 =	slt.u32 s28, $0x3;
	[sflag:s22] =	ssyncset.done $0x0  }
0x44: {  	s1 =	simm.s32 @!p0 $0x5;
	[sflag:s22] =	ssyncadd.s32 $0xFFFFD800  }
0x45: {  	_ =	swait.ge @!p0 [sflag:s1], $0x2800  }
0x46: {  	[sflag:s1] =	ssyncset.done @!p0 $0x0  }
0x47: {  	s29 =	simm.s32 $0x0;
	[sflag:s1] =	ssyncadd.s32 @!p0 $0xFFFFD800  }
0x48: {  	v0 =	vld [tilespmem:s29+$0x7770]  }
0x49: {  	v1 =	vld [tilespmem:s29+$0xEF70]  }
0x4a: {  	v2 =	vld [tilespmem:s29+$0x7700]  }
0x4b: {  	v3 =	vld [tilespmem:s29+$0xEF00]  }
0x4c: {  	v4 =	vld [tilespmem:s29+$0x7710]  }
0x4d: {  	v5 =	vld [tilespmem:s29+$0xEF10]  }
0x4e: {  	v6 =	vld [tilespmem:s29+$0x7720]  }
0x4f: {  	v7 =	vld [tilespmem:s29+$0x7730]  }
0x50: {  	v0 =	vadd.f32 v1, v0;
	v1 =	vld [tilespmem:s29+$0xEF20]  }
0x51: {  	v8 =	vld [tilespmem:s29+$0xEF30]  }
0x52: {  	v9 =	vld [tilespmem:s29+$0xEF40];
	v2 =	vadd.f32 v3, v2  }
0x53: {  	[tilespmem:s29+$0x16770] =	vst v0;
	v0 =	vadd.f32 v5, v4;
	v5 =	vld [tilespmem:s29+$0x7740]  }
0x54: {  	v3 =	vld [tilespmem:s29+$0xEF50];
	[tilespmem:s29+$0x16700] =	vst v2  }
0x55: {  	v2 =	vld [tilespmem:s29+$0x7750];
	[tilespmem:s29+$0x16710] =	vst v0;
	v0 =	vadd.f32 v1, v6  }
0x56: {  	v4 =	vld [tilespmem:s29+$0xEF60];
	v6 =	vadd.f32 v8, v7  }
0x57: {  	s30 =	simm.s32 $0x80;
	[tilespmem:s29+$0x16720] =	vst v0;
	v0 =	vld [tilespmem:s29+$0x7760]  }
0x58: {  	s31 =	simm.s32 $0x400;
	v5 =	vadd.f32 v9, v5;
	v1 =	vld [tilespmem:s30+$0x7770];
	[tilespmem:s29+$0x16730] =	vst v6  }
.LBB2_8:
0x59: {  	p0 =	sne.s32 s31, $0x9E00;
	v6 =	vld [tilespmem:s30+$0xEF70]  }
0x5a: {  	v7 =	vld [tilespmem:s30+$0x7700];
	[tilespmem:s29+$0x16740] =	vst v5;
	v2 =	vadd.f32 v3, v2  }
0x5b: {  	v3 =	vld [tilespmem:s30+$0xEF00]  }
0x5c: {  	v5 =	vld [tilespmem:s30+$0x7710];
	[tilespmem:s29+$0x16750] =	vst v2;
	v0 =	vadd.f32 v4, v0  }
0x5d: {  	v2 =	vld [tilespmem:s30+$0xEF10]  }
0x5e: {  	v4 =	vld [tilespmem:s30+$0x7720];
	v1 =	vadd.f32 v6, v1;
	[tilespmem:s29+$0x16760] =	vst v0;
	s29 =	smov.u32 s30  }
0x5f: {  	v0 =	vld [tilespmem:s29+$0xEF20]  }
0x60: {  	v3 =	vadd.f32 v3, v7;
	v6 =	vld [tilespmem:s29+$0x7730];
	[tilespmem:s29+$0x16770] =	vst v1  }
0x61: {  	v1 =	vld [tilespmem:s29+$0xEF30]  }
0x62: {  	[tilespmem:s29+$0x16700] =	vst v3;
	v2 =	vadd.f32 v2, v5;
	v5 =	vld [tilespmem:s29+$0x7740]  }
0x63: {  	v7 =	vld [tilespmem:s29+$0xEF40]  }
.Ltmp6:
0x64: {  	[tilespmem:s29+$0x16710] =	vst v2;
	v0 =	vadd.f32 v0, v4;
	v2 =	vld [tilespmem:s29+$0x7750];
	(pc) =	sbr.rel @p0 .LBB2_8-.Ltmp6, $4  }
0x65: {  	v3 =	vld [tilespmem:s29+$0xEF50]  }
0x66: {  	[tilespmem:s29+$0x16720] =	vst v0;
	v6 =	vadd.f32 v1, v6;
	v0 =	vld [tilespmem:s29+$0x7760]  }
0x67: {  	s30 =	sshra.s32 s31, $0x2;
	v4 =	vld [tilespmem:s29+$0xEF60]  }
0x68: {  	s31 =	sadd.s32 $0x200, s31;
	v1 =	vld [tilespmem:s30+$0x7770];
	[tilespmem:s29+$0x16730] =	vst v6;
	v5 =	vadd.f32 v7, v5  }
0x69: {  	v6 =	vld [tilespmem:s30+$0xEF70]  }
0x6a: {  	v7 =	vld [tilespmem:s30+$0x7700];
	[tilespmem:s29+$0x16740] =	vst v5;
	v2 =	vadd.f32 v3, v2  }
0x6b: {  	v51 =	vld [tilespmem:s30+$0xEF00]  }
0x6c: {  	v5 =	vld [tilespmem:s30+$0x7710];
	[tilespmem:s29+$0x16750] =	vst v2;
	v0 =	vadd.f32 v4, v0  }
0x6d: {  	v2 =	vld [tilespmem:s30+$0xEF10]  }
0x6e: {  	v52 =	vld [tilespmem:s30+$0x7720];
	[tilespmem:s29+$0x16760] =	vst v0  }
0x6f: {  	v54 =	vld [tilespmem:s30+$0xEF20]  }
0x70: {  	v55 =	vld [tilespmem:s30+$0x7730]  }
0x71: {  	v56 =	vld [tilespmem:s30+$0xEF30]  }
0x72: {  	v57 =	vld [tilespmem:s30+$0x7740]  }
0x73: {  	v58 =	vld [tilespmem:s30+$0xEF40]  }
0x74: {  	v59 =	vld [tilespmem:s30+$0x7750]  }
0x75: {  	v53 =	vadd.f32 v6, v1;
	v60 =	vld [tilespmem:s30+$0xEF50]  }
0x76: {  	v61 =	vld [tilespmem:s30+$0x7760];
	v3 =	vadd.f32 v51, v7  }
0x77: {  	v62 =	vld [tilespmem:s30+$0xEF60];
	[tilespmem:s30+$0x16770] =	vst v53;
	v2 =	vadd.f32 v2, v5  }
0x78: {  	[tilespmem:s30+$0x16700] =	vst v3;
	v1 =	vadd.f32 v54, v52  }
0x79: {  	[tilespmem:s30+$0x16710] =	vst v2;
	v0 =	vadd.f32 v56, v55  }
0x7a: {  	s1 =	smul.u32 $0x50, s28;
	v3 =	vadd.f32 v58, v57;
	[tilespmem:s30+$0x16720] =	vst v1  }
.Ltmp7:
0x7b: {  	v63 =	vadd.f32 v60, v59;
	[tilespmem:s30+$0x16730] =	vst v0;
	(pc) =	sbr.rel .LBB2_13-.Ltmp7, $4  }
0x7c: {  	s1 =	sadd.s32 s4, s1;
	[tilespmem:s30+$0x16740] =	vst v3;
	v1 =	vadd.f32 v62, v61  }
0x7d: {  	s1 =	sshll.u32 s1, $0x4;
	[tilespmem:s30+$0x16750] =	vst v63  }
0x7e: {  	s1 =	sadd.s32 s2, s1;
	[tilespmem:s30+$0x16760] =	vst v1  }
0x7f: {  	[hbm4b:s1+s3] =	stream.linear.scatter [tilespmem:s23], [sflag:$0x5], $0x2800, $0x38;
	[tilespmem:$0x1B700] =	vst v63  }
.LBB2_10:
0x80: {  	s1 =	smul.u32 @!p0 $0x50, s28;
	_ =	sdelay $0x1  }
0x81: {  	s30 =	simm.s32 @!p0 $0x50;
	s31 =	simm.s32 @!p0 $0x7700;
	s29 =	sadd.s32 @!p0 $0xA0, s1  }
0x82: {  	[tilespmem:s31], [sflag:$0x2] =	stream.indirect.gather @!p0 [hbm4b:s5+s30], $0x80, s29, s30, $0xb8;
	[tilespmem:$0x1B700] =	vst v63  }
0x83: {  	s1 =	sadd.s32 @!p0 $0x2820, s1;
	s29 =	simm.s32 @!p0 $0xEF00  }
0x84: {  	[tilespmem:s29], [sflag:$0x2] =	stream.indirect.gather @!p0 [hbm4b:s5+s30], $0x80, s1, s30, $0xb8;
	[tilespmem:$0x1B700] =	vst v63  }
0x85: {  	_ =	swait.ge [sflag:s17], $0x2800  }
0x86: {  	[sflag:s17] =	ssyncset.done $0x0  }
0x87: {  	[sflag:s17] =	ssyncadd.s32 $0xFFFFD800  }
0x88: {  	_ =	swait.ge [sflag:s17], $0x2800  }
0x89: {  	p0 =	slt.u32 s28, $0x3;
	[sflag:s17] =	ssyncset.done $0x0  }
0x8a: {  	s1 =	simm.s32 @!p0 $0x6;
	[sflag:s17] =	ssyncadd.s32 $0xFFFFD800  }
0x8b: {  	_ =	swait.ge @!p0 [sflag:s1], $0x2800  }
0x8c: {  	[sflag:s1] =	ssyncset.done @!p0 $0x0  }
0x8d: {  	s29 =	simm.s32 $0x0;
	[sflag:s1] =	ssyncadd.s32 @!p0 $0xFFFFD800  }
0x8e: {  	v0 =	vld [tilespmem:s29+$0x9F70]  }
0x8f: {  	v1 =	vld [tilespmem:s29+$0x11770]  }
0x90: {  	v2 =	vld [tilespmem:s29+$0x9F00]  }
0x91: {  	v3 =	vld [tilespmem:s29+$0x11700]  }
0x92: {  	v4 =	vld [tilespmem:s29+$0x9F10]  }
0x93: {  	v5 =	vld [tilespmem:s29+$0x11710]  }
0x94: {  	v6 =	vld [tilespmem:s29+$0x9F20]  }
0x95: {  	v7 =	vld [tilespmem:s29+$0x9F30]  }
0x96: {  	v0 =	vadd.f32 v1, v0;
	v1 =	vld [tilespmem:s29+$0x11720]  }
0x97: {  	v8 =	vld [tilespmem:s29+$0x11730]  }
0x98: {  	v9 =	vld [tilespmem:s29+$0x11740];
	v2 =	vadd.f32 v3, v2  }
0x99: {  	[tilespmem:s29+$0x18F70] =	vst v0;
	v0 =	vadd.f32 v5, v4;
	v5 =	vld [tilespmem:s29+$0x9F40]  }
0x9a: {  	v3 =	vld [tilespmem:s29+$0x11750];
	[tilespmem:s29+$0x18F00] =	vst v2  }
0x9b: {  	v2 =	vld [tilespmem:s29+$0x9F50];
	[tilespmem:s29+$0x18F10] =	vst v0;
	v0 =	vadd.f32 v1, v6  }
0x9c: {  	v4 =	vld [tilespmem:s29+$0x11760];
	v6 =	vadd.f32 v8, v7  }
0x9d: {  	s30 =	simm.s32 $0x80;
	[tilespmem:s29+$0x18F20] =	vst v0;
	v0 =	vld [tilespmem:s29+$0x9F60]  }
0x9e: {  	s31 =	simm.s32 $0x400;
	v5 =	vadd.f32 v9, v5;
	v1 =	vld [tilespmem:s30+$0x9F70];
	[tilespmem:s29+$0x18F30] =	vst v6  }
.LBB2_11:
0x9f: {  	p0 =	sne.s32 s31, $0x9E00;
	v6 =	vld [tilespmem:s30+$0x11770]  }
0xa0: {  	v7 =	vld [tilespmem:s30+$0x9F00];
	[tilespmem:s29+$0x18F40] =	vst v5;
	v2 =	vadd.f32 v3, v2  }
0xa1: {  	v3 =	vld [tilespmem:s30+$0x11700]  }
0xa2: {  	v5 =	vld [tilespmem:s30+$0x9F10];
	[tilespmem:s29+$0x18F50] =	vst v2;
	v0 =	vadd.f32 v4, v0  }
0xa3: {  	v2 =	vld [tilespmem:s30+$0x11710]  }
0xa4: {  	v4 =	vld [tilespmem:s30+$0x9F20];
	v1 =	vadd.f32 v6, v1;
	[tilespmem:s29+$0x18F60] =	vst v0;
	s29 =	smov.u32 s30  }
0xa5: {  	v0 =	vld [tilespmem:s29+$0x11720]  }
0xa6: {  	v3 =	vadd.f32 v3, v7;
	v6 =	vld [tilespmem:s29+$0x9F30];
	[tilespmem:s29+$0x18F70] =	vst v1  }
0xa7: {  	v1 =	vld [tilespmem:s29+$0x11730]  }
0xa8: {  	[tilespmem:s29+$0x18F00] =	vst v3;
	v2 =	vadd.f32 v2, v5;
	v5 =	vld [tilespmem:s29+$0x9F40]  }
0xa9: {  	v7 =	vld [tilespmem:s29+$0x11740]  }
.Ltmp8:
0xaa: {  	[tilespmem:s29+$0x18F10] =	vst v2;
	v0 =	vadd.f32 v0, v4;
	v2 =	vld [tilespmem:s29+$0x9F50];
	(pc) =	sbr.rel @p0 .LBB2_11-.Ltmp8, $4  }
0xab: {  	v3 =	vld [tilespmem:s29+$0x11750]  }
0xac: {  	[tilespmem:s29+$0x18F20] =	vst v0;
	v6 =	vadd.f32 v1, v6;
	v0 =	vld [tilespmem:s29+$0x9F60]  }
0xad: {  	s30 =	sshra.s32 s31, $0x2;
	v4 =	vld [tilespmem:s29+$0x11760]  }
0xae: {  	s31 =	sadd.s32 $0x200, s31;
	v1 =	vld [tilespmem:s30+$0x9F70];
	[tilespmem:s29+$0x18F30] =	vst v6;
	v5 =	vadd.f32 v7, v5  }
0xaf: {  	v6 =	vld [tilespmem:s30+$0x11770]  }
0xb0: {  	v7 =	vld [tilespmem:s30+$0x9F00];
	[tilespmem:s29+$0x18F40] =	vst v5;
	v2 =	vadd.f32 v3, v2  }
0xb1: {  	v51 =	vld [tilespmem:s30+$0x11700]  }
0xb2: {  	v5 =	vld [tilespmem:s30+$0x9F10];
	[tilespmem:s29+$0x18F50] =	vst v2;
	v0 =	vadd.f32 v4, v0  }
0xb3: {  	v2 =	vld [tilespmem:s30+$0x11710]  }
0xb4: {  	v52 =	vld [tilespmem:s30+$0x9F20];
	[tilespmem:s29+$0x18F60] =	vst v0  }
0xb5: {  	v54 =	vld [tilespmem:s30+$0x11720]  }
0xb6: {  	v55 =	vld [tilespmem:s30+$0x9F30]  }
0xb7: {  	v56 =	vld [tilespmem:s30+$0x11730]  }
0xb8: {  	v57 =	vld [tilespmem:s30+$0x9F40]  }
0xb9: {  	v58 =	vld [tilespmem:s30+$0x11740]  }
0xba: {  	v59 =	vld [tilespmem:s30+$0x9F50]  }
0xbb: {  	v53 =	vadd.f32 v6, v1;
	v60 =	vld [tilespmem:s30+$0x11750]  }
0xbc: {  	v61 =	vld [tilespmem:s30+$0x9F60];
	v3 =	vadd.f32 v51, v7  }
0xbd: {  	v62 =	vld [tilespmem:s30+$0x11760];
	[tilespmem:s30+$0x18F70] =	vst v53;
	v2 =	vadd.f32 v2, v5  }
0xbe: {  	[tilespmem:s30+$0x18F00] =	vst v3;
	v1 =	vadd.f32 v54, v52  }
0xbf: {  	[tilespmem:s30+$0x18F10] =	vst v2;
	v0 =	vadd.f32 v56, v55  }
0xc0: {  	s1 =	smul.u32 $0x50, s28;
	v3 =	vadd.f32 v58, v57;
	[tilespmem:s30+$0x18F20] =	vst v1  }
.Ltmp9:
0xc1: {  	v63 =	vadd.f32 v60, v59;
	[tilespmem:s30+$0x18F30] =	vst v0;
	(pc) =	sbr.rel .LBB2_13-.Ltmp9, $4  }
0xc2: {  	s1 =	sadd.s32 s4, s1;
	[tilespmem:s30+$0x18F40] =	vst v3;
	v1 =	vadd.f32 v62, v61  }
0xc3: {  	s1 =	sshll.u32 s1, $0x4;
	[tilespmem:s30+$0x18F50] =	vst v63  }
0xc4: {  	s1 =	sadd.s32 s2, s1;
	[tilespmem:s30+$0x18F60] =	vst v1  }
0xc5: {  	[hbm4b:s1+s3] =	stream.linear.scatter [tilespmem:s18], [sflag:$0x6], $0x2800, $0x38;
	[tilespmem:$0x1B700] =	vst v63  }
.LBB2_4:
0xc6: {  	_ = 	snop  }
0xc7: {  	s31 =	simm.s32 @!p0 $0x50;
	s1 =	simm.s32 @!p0 $0x9F00;
	s30 =	sadd.s32 @!p0 $0xA0, s29  }
0xc8: {  	[tilespmem:s1], [sflag:$0x3] =	stream.indirect.gather @!p0 [hbm4b:s5+s31], $0x80, s30, s31, $0xb8;
	[tilespmem:$0x1B700] =	vst v63  }
0xc9: {  	s1 =	sadd.s32 @!p0 $0x2820, s29;
	s29 =	simm.s32 @!p0 $0x11700  }
0xca: {  	[tilespmem:s29], [sflag:$0x3] =	stream.indirect.gather @!p0 [hbm4b:s5+s31], $0x80, s1, s31, $0xb8;
	[tilespmem:$0x1B700] =	vst v63  }
0xcb: {  	_ =	swait.ge [sflag:s24], $0x2800  }
0xcc: {  	[sflag:s24] =	ssyncset.done $0x0  }
0xcd: {  	[sflag:s24] =	ssyncadd.s32 $0xFFFFD800  }
0xce: {  	_ =	swait.ge [sflag:s24], $0x2800  }
0xcf: {  	p0 =	slt.u32 s28, $0x3;
	[sflag:s24] =	ssyncset.done $0x0  }
0xd0: {  	s1 =	simm.s32 @!p0 $0x4;
	[sflag:s24] =	ssyncadd.s32 $0xFFFFD800  }
0xd1: {  	_ =	swait.ge @!p0 [sflag:s1], $0x2800  }
0xd2: {  	[sflag:s1] =	ssyncset.done @!p0 $0x0  }
0xd3: {  	s29 =	simm.s32 $0x0;
	[sflag:s1] =	ssyncadd.s32 @!p0 $0xFFFFD800  }
0xd4: {  	v0 =	vld [tilespmem:s29+$0x4F70]  }
0xd5: {  	v1 =	vld [tilespmem:s29+$0xC770]  }
0xd6: {  	v2 =	vld [tilespmem:s29+$0x4F00]  }
0xd7: {  	v3 =	vld [tilespmem:s29+$0xC700]  }
0xd8: {  	v4 =	vld [tilespmem:s29+$0x4F10]  }
0xd9: {  	v5 =	vld [tilespmem:s29+$0xC710]  }
0xda: {  	v6 =	vld [tilespmem:s29+$0x4F20]  }
0xdb: {  	v7 =	vld [tilespmem:s29+$0x4F30]  }
0xdc: {  	v0 =	vadd.f32 v1, v0;
	v1 =	vld [tilespmem:s29+$0xC720]  }
0xdd: {  	v8 =	vld [tilespmem:s29+$0xC730]  }
0xde: {  	v9 =	vld [tilespmem:s29+$0xC740];
	v2 =	vadd.f32 v3, v2  }
0xdf: {  	[tilespmem:s29+$0x13F70] =	vst v0;
	v0 =	vadd.f32 v5, v4;
	v5 =	vld [tilespmem:s29+$0x4F40]  }
0xe0: {  	v3 =	vld [tilespmem:s29+$0xC750];
	[tilespmem:s29+$0x13F00] =	vst v2  }
0xe1: {  	v2 =	vld [tilespmem:s29+$0x4F50];
	[tilespmem:s29+$0x13F10] =	vst v0;
	v0 =	vadd.f32 v1, v6  }
0xe2: {  	v4 =	vld [tilespmem:s29+$0xC760];
	v6 =	vadd.f32 v8, v7  }
0xe3: {  	s30 =	simm.s32 $0x80;
	[tilespmem:s29+$0x13F20] =	vst v0;
	v0 =	vld [tilespmem:s29+$0x4F60]  }
0xe4: {  	s31 =	simm.s32 $0x400;
	v5 =	vadd.f32 v9, v5;
	v1 =	vld [tilespmem:s30+$0x4F70];
	[tilespmem:s29+$0x13F30] =	vst v6  }
.LBB2_5:
0xe5: {  	p0 =	sne.s32 s31, $0x9E00;
	v6 =	vld [tilespmem:s30+$0xC770]  }
0xe6: {  	v7 =	vld [tilespmem:s30+$0x4F00];
	[tilespmem:s29+$0x13F40] =	vst v5;
	v2 =	vadd.f32 v3, v2  }
0xe7: {  	v3 =	vld [tilespmem:s30+$0xC700]  }
0xe8: {  	v5 =	vld [tilespmem:s30+$0x4F10];
	[tilespmem:s29+$0x13F50] =	vst v2;
	v0 =	vadd.f32 v4, v0  }
0xe9: {  	v2 =	vld [tilespmem:s30+$0xC710]  }
0xea: {  	v4 =	vld [tilespmem:s30+$0x4F20];
	v1 =	vadd.f32 v6, v1;
	[tilespmem:s29+$0x13F60] =	vst v0;
	s29 =	smov.u32 s30  }
0xeb: {  	v0 =	vld [tilespmem:s29+$0xC720]  }
0xec: {  	v3 =	vadd.f32 v3, v7;
	v6 =	vld [tilespmem:s29+$0x4F30];
	[tilespmem:s29+$0x13F70] =	vst v1  }
0xed: {  	v1 =	vld [tilespmem:s29+$0xC730]  }
0xee: {  	[tilespmem:s29+$0x13F00] =	vst v3;
	v2 =	vadd.f32 v2, v5;
	v5 =	vld [tilespmem:s29+$0x4F40]  }
0xef: {  	v7 =	vld [tilespmem:s29+$0xC740]  }
.Ltmp10:
0xf0: {  	[tilespmem:s29+$0x13F10] =	vst v2;
	v0 =	vadd.f32 v0, v4;
	v2 =	vld [tilespmem:s29+$0x4F50];
	(pc) =	sbr.rel @p0 .LBB2_5-.Ltmp10, $4  }
0xf1: {  	v3 =	vld [tilespmem:s29+$0xC750]  }
0xf2: {  	[tilespmem:s29+$0x13F20] =	vst v0;
	v6 =	vadd.f32 v1, v6;
	v0 =	vld [tilespmem:s29+$0x4F60]  }
0xf3: {  	s30 =	sshra.s32 s31, $0x2;
	v4 =	vld [tilespmem:s29+$0xC760]  }
0xf4: {  	s31 =	sadd.s32 $0x200, s31;
	v1 =	vld [tilespmem:s30+$0x4F70];
	[tilespmem:s29+$0x13F30] =	vst v6;
	v5 =	vadd.f32 v7, v5  }
0xf5: {  	v6 =	vld [tilespmem:s30+$0xC770]  }
0xf6: {  	v7 =	vld [tilespmem:s30+$0x4F00];
	[tilespmem:s29+$0x13F40] =	vst v5;
	v2 =	vadd.f32 v3, v2  }
0xf7: {  	v51 =	vld [tilespmem:s30+$0xC700]  }
0xf8: {  	v5 =	vld [tilespmem:s30+$0x4F10];
	[tilespmem:s29+$0x13F50] =	vst v2;
	v0 =	vadd.f32 v4, v0  }
0xf9: {  	v2 =	vld [tilespmem:s30+$0xC710]  }
0xfa: {  	v52 =	vld [tilespmem:s30+$0x4F20];
	[tilespmem:s29+$0x13F60] =	vst v0  }
0xfb: {  	v54 =	vld [tilespmem:s30+$0xC720]  }
0xfc: {  	v55 =	vld [tilespmem:s30+$0x4F30]  }
0xfd: {  	v56 =	vld [tilespmem:s30+$0xC730]  }
0xfe: {  	v57 =	vld [tilespmem:s30+$0x4F40]  }
0xff: {  	v58 =	vld [tilespmem:s30+$0xC740]  }
0x100: {  	v59 =	vld [tilespmem:s30+$0x4F50]  }
0x101: {  	v53 =	vadd.f32 v6, v1;
	v60 =	vld [tilespmem:s30+$0xC750]  }
0x102: {  	v61 =	vld [tilespmem:s30+$0x4F60];
	v3 =	vadd.f32 v51, v7  }
0x103: {  	v62 =	vld [tilespmem:s30+$0xC760];
	[tilespmem:s30+$0x13F70] =	vst v53;
	v2 =	vadd.f32 v2, v5  }
0x104: {  	[tilespmem:s30+$0x13F00] =	vst v3;
	v1 =	vadd.f32 v54, v52  }
0x105: {  	[tilespmem:s30+$0x13F10] =	vst v2;
	v0 =	vadd.f32 v56, v55  }
0x106: {  	s1 =	smul.u32 $0x50, s28;
	v3 =	vadd.f32 v58, v57;
	[tilespmem:s30+$0x13F20] =	vst v1  }
.Ltmp11:
0x107: {  	v63 =	vadd.f32 v60, v59;
	[tilespmem:s30+$0x13F30] =	vst v0;
	(pc) =	sbr.rel .LBB2_13-.Ltmp11, $4  }
0x108: {  	s1 =	sadd.s32 s4, s1;
	[tilespmem:s30+$0x13F40] =	vst v3;
	v1 =	vadd.f32 v62, v61  }
0x109: {  	s1 =	sshll.u32 s1, $0x4;
	[tilespmem:s30+$0x13F50] =	vst v63  }
0x10a: {  	s1 =	sadd.s32 s2, s1;
	[tilespmem:s30+$0x13F60] =	vst v1  }
0x10b: {  	[hbm4b:s1+s3] =	stream.linear.scatter [tilespmem:s25], [sflag:$0x4], $0x2800, $0x38;
	[tilespmem:$0x1B700] =	vst v63  }
.LBB2_15:
0x10c: {  	_ =	sfence.sel $0x180000  }
0x10d: {  	[bflag:$0x0] =	sbarrier.arrive $0xFFFF  }
0x10e: {  	_ =	strace $0x9000004A  }
0x10f: {  	[bflag:$0x2] =	sbarrier.arrive $0xFFFF  }
0x110: {  	p0 =	sne.s32 s0, $0x0;
	s0 =	rddreg [dreg:$0x2]  }
0x111: {  	s0 =	sadd.s32 @!p0 $0x100000, s0  }
0x112: {  	[sflag:s0] =	ssyncadd.tile.s32 @!p0 $0x1;
	_ =	shalt  }
.Lfunc_end2:
_tile_overlayer_lowered:
.L_overlay_start_2:
0x113: {  	(tag) =	ssettag $0x2  }
0x114: {  	s0 =	rddreg [dreg:$0x0];
	s2 =	stileid.u32  }
0x115: {  	s1 =	rddreg [dreg:$0x1];
	p0 =	sne.s32 s2, $0x0  }
0x116: {  	s3 =	rddreg [dreg:$0x2];
	[bflag:$0x3] =	sbarrier.arrive $0xFFFF;
	s2 =	simm.s32 @!p0 $0x1C07  }
0x117: {  	[timem:s3], [sflag:s2] =	dma.local @!p0 [hbm:s0], s1  }
0x118: {  	s0 =	simm.s32 @!p0 $0x7  }
0x119: {  	_ =	swait.ge @!p0 [sflag:s0], s1  }
0x11a: {  	s1 =	ssub.s32 @!p0 $0x0, s1;
	[sflag:s0] =	ssyncset.done @!p0 $0x0  }
0x11b: {  	[sflag:s0] =	ssyncadd.s32 @!p0 s1  }
0x11c: {  	[bflag:$0x3] =	sbarrier.arrive $0xFFFF  }
0x11d: {  	_ =	shalt  }

</sc_bundles>
